<compile_context>
chip_gen: v7x
topology: tpu7x:2x2x1
jax: 0.10.2.dev20260603
libtpu: 0.0.44.dev20260713+nightly
codegen_flags: <defaults>
</compile_context>

<pallas_src>
import functools

import jax
import jax.numpy as jnp
from jax import lax
from jax.experimental import pallas as pl
from jax.experimental.pallas import tpu as pltpu
from jax.experimental.pallas import tpu_sc as plsc

N = 100000
E = 200000
H = 64
NW = 32
EPT = 6272
E_PAD = NW * EPT
BN = 2048
GRID = (N + BN - 1) // BN
CN = 5000
NCH = N // CN
CB = 896
NQB = EPT // CB
NSUB = CB // 128



def _tc_body(coords_ref, feid_ref, isa_ref, mask_ref, fext_ref, bcd_ref,
             bcr_ref, w1_ref, b1_ref, wh_ref, ws_ref, whs_ref, wt_ref,
             bias_ref, ff_ref, nd_ref, code_ref, acc_ref):
    i = pl.program_id(0)
    nid = i * BN + lax.broadcasted_iota(jnp.int32, (BN, 1), 0)
    vrow = nid < N

    z = jnp.dot(coords_ref[...], w1_ref[...],
                preferred_element_type=jnp.float32) + b1_ref[...]
    h = jnp.tanh(z)
    s = 1.0 - h * h
    hs = h * s
    t = s * (1.0 - 3.0 * h * h)
    out = (jnp.dot(h, wh_ref[...], preferred_element_type=jnp.float32)
           + jnp.dot(s, ws_ref[...], preferred_element_type=jnp.float32)
           + jnp.dot(hs, whs_ref[...], preferred_element_type=jnp.float32)
           + jnp.dot(t, wt_ref[...], preferred_element_type=jnp.float32)
           + bias_ref[...])
    ff16 = out[:, 0:16]
    ff_ref[...] = ff16
    nd_ref[...] = out[:, 16:24]

    feid = feid_ref[...]
    isa = isa_ref[...]
    fmask = mask_ref[...]
    code_ref[...] = jnp.where(fmask > 0.5, feid | (isa << 18),
                              jnp.int32(-1))

    fext = fext_ref[...]
    rx = ff16[:, 0:1] + ff16[:, 4:5] + ff16[:, 8:9] + ff16[:, 12:13] - fext[:, 0:1]
    ry = ff16[:, 1:2] + ff16[:, 5:6] + ff16[:, 9:10] + ff16[:, 13:14] - fext[:, 1:2]
    rz = ff16[:, 2:3] + ff16[:, 6:7] + ff16[:, 10:11] + ff16[:, 14:15] - fext[:, 2:3]
    res_sq = rx * rx + ry * ry + rz * rz
    bcd = bcd_ref[...]
    bcr = bcr_ref[...]
    free_n = vrow & (bcd < 0.5)
    eq_num = jnp.sum(jnp.where(free_n, res_sq, 0.0))
    eq_cnt = jnp.sum(jnp.where(free_n, 1.0, 0.0))

    fr_num = jnp.float32(0.0)
    fr_cnt = jnp.float32(0.0)
    for f in range(4):
        ffsq = (ff16[:, 4 * f:4 * f + 1] ** 2
                + ff16[:, 4 * f + 1:4 * f + 2] ** 2
                + ff16[:, 4 * f + 2:4 * f + 3] ** 2)
        free_f = vrow & (fmask[:, f:f + 1] < 0.5)
        fr_num += jnp.sum(jnp.where(free_f, ffsq, 0.0))
        fr_cnt += jnp.sum(jnp.where(free_f, 1.0, 0.0))

    dx = out[:, 24:25]
    dy = out[:, 25:26]
    dz = out[:, 26:27]
    sd = vrow & (bcd > 0.5)
    sr = vrow & (bcr > 0.5)
    sup_x = jnp.sum(jnp.where(sd, dx * dx, 0.0))
    sup_y = jnp.sum(jnp.where(sd, dy * dy, 0.0))
    sup_c = jnp.sum(jnp.where(sd, 1.0, 0.0))
    sup_z = jnp.sum(jnp.where(sr, dz * dz, 0.0))
    sup_rc = jnp.sum(jnp.where(sr, 1.0, 0.0))

    scalars = [eq_num, eq_cnt, fr_num, fr_cnt, sup_x, sup_y, sup_c,
               sup_z, sup_rc]
    rio = lax.broadcasted_iota(jnp.int32, (8, 128), 0)
    lio = lax.broadcasted_iota(jnp.int32, (8, 128), 1)
    contrib = jnp.zeros((8, 128), jnp.float32)
    for k, v in enumerate(scalars):
        contrib += jnp.where((rio == 0) & (lio == k), v, 0.0)

    @pl.when(i == 0)
    def _():
        acc_ref[...] = jnp.zeros_like(acc_ref)

    acc_ref[...] += contrib


def _tc_dense(coords8, feid, isa, fmask, fext, bcd, bcr,
              w1p, b1r, wh, ws, whs, wt, bias32):
    full = lambda shp: pl.BlockSpec(shp, lambda i: (0, 0))
    row = lambda w: pl.BlockSpec((BN, w), lambda i: (i, 0))
    return pl.pallas_call(
        _tc_body,
        grid=(GRID,),
        in_specs=[row(8), row(4), row(4), row(4), row(3), row(1), row(1),
                  full((8, H)), full((1, H)), full((H, 32)), full((H, 32)),
                  full((H, 32)), full((H, 32)), full((1, 32))],
        out_specs=[row(16), row(8), row(4),
                   pl.BlockSpec((8, 128), lambda i: (0, 0))],
        out_shape=[jax.ShapeDtypeStruct((N, 16), jnp.float32),
                   jax.ShapeDtypeStruct((N, 8), jnp.float32),
                   jax.ShapeDtypeStruct((N, 4), jnp.int32),
                   jax.ShapeDtypeStruct((8, 128), jnp.float32)],
    )(coords8, feid, isa, fmask, fext, bcd, bcr,
      w1p, b1r, wh, ws, whs, wt, bias32)



def _sc_body(code0, code1, code2, code3, ffv0, ffv1, ffv2, ffv3,
             nd8, edata, connA, connB, out_hbm,
             fAxT, fAyT, fAzT, fBxT, fByT, fBzT, cbuf, fbuf,
             cA_buf, cB_buf, ndA, ndB, ebuf, pbuf, sem2):
    wid = lax.axis_index("s") * 2 + lax.axis_index("c")
    lo = wid * EPT
    iota = lax.iota(jnp.int32, 16)
    zero16 = jnp.zeros((16,), jnp.float32)
    c0 = jnp.zeros((16,), jnp.int32)

    def init(i, _):
        fAxT[pl.ds(i * 16, 16)] = zero16
        fAyT[pl.ds(i * 16, 16)] = zero16
        fAzT[pl.ds(i * 16, 16)] = zero16
        fBxT[pl.ds(i * 16, 16)] = zero16
        fByT[pl.ds(i * 16, 16)] = zero16
        fBzT[pl.ds(i * 16, 16)] = zero16
        return 0
    lax.fori_loop(0, EPT // 16, init, 0)

    def scan_pass(code_hbm, ff_hbm):
        def chunk(c, _):
            pltpu.sync_copy(code_hbm.at[pl.ds(c * CN, CN)], cbuf)
            pltpu.sync_copy(ff_hbm.at[pl.ds(c * CN, CN)], fbuf)

            def vec(j, _):
                code = cbuf[pl.ds(j * 16, 16)]
                valid = code >= 0
                e = code & 0x3FFFF
                inr = valid & (e >= lo) & (e < lo + EPT)
                is_a = (code & (1 << 18)) != 0
                mA = inr & is_a
                mB = inr & (~is_a)
                idx = e - lo
                r16 = j * 16 + iota
                fx = plsc.load_gather(fbuf, [r16, c0])
                fy = plsc.load_gather(fbuf, [r16, c0 + 1])
                fz = plsc.load_gather(fbuf, [r16, c0 + 2])
                plsc.store_scatter(fAxT, [idx], fx, mask=mA)
                plsc.store_scatter(fAyT, [idx], fy, mask=mA)
                plsc.store_scatter(fAzT, [idx], fz, mask=mA)
                plsc.store_scatter(fBxT, [idx], fx, mask=mB)
                plsc.store_scatter(fByT, [idx], fy, mask=mB)
                plsc.store_scatter(fBzT, [idx], fz, mask=mB)
                return 0
            lax.fori_loop(0, CN // 16, vec, 0)
            return 0
        lax.fori_loop(0, NCH, chunk, 0)

    scan_pass(code0, ffv0)
    scan_pass(code1, ffv1)
    scan_pass(code2, ffv2)
    scan_pass(code3, ffv3)

    def qchunk(q, accs):
        ebase = lo + q * CB

        pltpu.sync_copy(edata.at[pl.ds(ebase, CB)], ebuf)
        pltpu.sync_copy(connA.at[pl.ds(ebase, CB)], cA_buf)
        pltpu.sync_copy(connB.at[pl.ds(ebase, CB)], cB_buf)

        cops = []
        for j in range(NSUB):
            cops.append(pltpu.async_copy(
                nd8.at[cA_buf.at[pl.ds(j * 128, 128)]],
                ndA.at[pl.ds(j * 128, 128)], sem2))
            cops.append(pltpu.async_copy(
                nd8.at[cB_buf.at[pl.ds(j * 128, 128)]],
                ndB.at[pl.ds(j * 128, 128)], sem2))
        for cop in cops:
            cop.wait()

        def vec(sidx, acc):
            aN, aM, aV = acc
            r16 = sidx * 16 + iota
            toff = q * CB + sidx * 16
            emask = (ebase + sidx * 16 + iota) < E

            cosv = plsc.load_gather(ebuf, [r16, c0])
            sinv = plsc.load_gather(ebuf, [r16, c0 + 1])
            pE = plsc.load_gather(ebuf, [r16, c0 + 2])
            pA = plsc.load_gather(ebuf, [r16, c0 + 3])
            pI = plsc.load_gather(ebuf, [r16, c0 + 4])
            ea = pE * pA
            ei = pE * pI
            is_h = jnp.abs(cosv) > jnp.abs(sinv)
            sgn = jnp.where(is_h, 1.0, -1.0)

            fAx = fAxT[pl.ds(toff, 16)]
            fAy = fAyT[pl.ds(toff, 16)]
            fAz = fAzT[pl.ds(toff, 16)]
            fBx = fBxT[pl.ds(toff, 16)]
            fBy = fByT[pl.ds(toff, 16)]
            fBz = fBzT[pl.ds(toff, 16)]

            lAx = fAx * cosv + fAy * sinv
            lAy = -fAx * sinv + fAy * cosv
            lBx = fBx * cosv + fBy * sinv
            lBy = -fBx * sinv + fBy * cosv

            cs = jnp.where(is_h, c0, c0 + 1)
            cc = jnp.where(is_h, c0 + 2, c0 + 3)
            cd = jnp.where(is_h, c0 + 4, c0 + 5)
            stA = plsc.load_gather(ndA, [r16, cs])
            stB = plsc.load_gather(ndB, [r16, cs])
            cvA = plsc.load_gather(ndA, [r16, cc]) * sgn
            cvB = plsc.load_gather(ndB, [r16, cc]) * sgn
            d3A = plsc.load_gather(ndA, [r16, cd]) * sgn
            d3B = plsc.load_gather(ndB, [r16, cd]) * sgn

            def sq(u):
                return u * u
            tN = sq(lAx + ea * stA) + sq(lBx - ea * stB)
            tM = sq(fAz + ei * cvA) + sq(fBz - ei * cvB)
            tV = sq(lAy + ei * d3A) + sq(lBy - ei * d3B)
            return (aN + jnp.where(emask, tN, zero16),
                    aM + jnp.where(emask, tM, zero16),
                    aV + jnp.where(emask, tV, zero16))

        return lax.fori_loop(0, CB // 16, vec, accs)

    aN, aM, aV = lax.fori_loop(0, NQB, qchunk, (zero16, zero16, zero16))

    pbuf[pl.ds(0, 16)] = aN
    pbuf[pl.ds(16, 16)] = aM
    pbuf[pl.ds(32, 16)] = aV
    plsc.subcore_barrier()
    pltpu.sync_copy(pbuf, out_hbm.at[pl.ds(wid * 48, 48)])


def _sc_sparse(code0, code1, code2, code3, ffv0, ffv1, ffv2, ffv3,
               nd8, edata, connA, connB):
    mesh = plsc.VectorSubcoreMesh(core_axis_name="c", subcore_axis_name="s")
    fn = functools.partial(
        pl.kernel,
        out_type=jax.ShapeDtypeStruct((NW * 48,), jnp.float32),
        mesh=mesh,
        compiler_params=pltpu.CompilerParams(needs_layout_passes=False,
                                             use_tc_tiling_on_sc=False),
        scratch_types=[
            pltpu.VMEM((EPT,), jnp.float32),
            pltpu.VMEM((EPT,), jnp.float32),
            pltpu.VMEM((EPT,), jnp.float32),
            pltpu.VMEM((EPT,), jnp.float32),
            pltpu.VMEM((EPT,), jnp.float32),
            pltpu.VMEM((EPT,), jnp.float32),
            pltpu.VMEM((CN,), jnp.int32),
            pltpu.VMEM((CN, 4), jnp.float32),
            pltpu.VMEM((CB,), jnp.int32),
            pltpu.VMEM((CB,), jnp.int32),
            pltpu.VMEM((CB, 8), jnp.float32),
            pltpu.VMEM((CB, 8), jnp.float32),
            pltpu.VMEM((CB, 8), jnp.float32),
            pltpu.VMEM((48,), jnp.float32),
            pltpu.SemaphoreType.DMA,
        ],
    )(_sc_body)
    return fn(code0, code1, code2, code3, ffv0, ffv1, ffv2, ffv3,
              nd8, edata, connA, connB)



def kernel(coords, connectivity, face_element_id, face_is_A_end, face_mask,
           elem_directions, F_ext, bc_disp, bc_rot, prop_E, prop_A,
           prop_I22, W1, b1, W2, b2):
    f32 = jnp.float32

    w1p = jnp.zeros((8, H), f32).at[0:3, :].set(W1)
    b1r = b1.reshape(1, H)
    z1 = jnp.zeros((H, 1), f32)
    wh_ff = jnp.concatenate(
        [W2[:, 3:6], z1, W2[:, 6:9], z1, W2[:, 9:12], z1, W2[:, 12:15], z1],
        axis=1)
    wh = jnp.concatenate([wh_ff, jnp.zeros((H, 8), f32), W2[:, 0:3],
                          jnp.zeros((H, 5), f32)], axis=1)
    ws = jnp.zeros((H, 32), f32)
    ws = ws.at[:, 16].set(W2[:, 0] * W1[0, :]).at[:, 17].set(W2[:, 1] * W1[2, :])
    whs = jnp.zeros((H, 32), f32)
    whs = (whs.at[:, 18].set(-2.0 * W2[:, 1] * W1[0, :] ** 2)
              .at[:, 19].set(-2.0 * W2[:, 0] * W1[2, :] ** 2))
    wt = jnp.zeros((H, 32), f32)
    wt = (wt.at[:, 20].set(-2.0 * W2[:, 1] * W1[0, :] ** 3)
            .at[:, 21].set(-2.0 * W2[:, 0] * W1[2, :] ** 3))
    b2ff = jnp.concatenate(
        [b2[3:6], jnp.zeros((1,), f32), b2[6:9], jnp.zeros((1,), f32),
         b2[9:12], jnp.zeros((1,), f32), b2[12:15], jnp.zeros((1,), f32)])
    bias32 = jnp.concatenate([b2ff, jnp.zeros((8,), f32), b2[0:3],
                              jnp.zeros((5,), f32)]).reshape(1, 32)

    coords8 = jnp.zeros((N, 8), f32).at[:, 0:3].set(coords)

    ff16, nd8, code_nat, acc = _tc_dense(
        coords8, face_element_id.astype(jnp.int32),
        face_is_A_end.astype(jnp.int32), face_mask, F_ext, bc_disp, bc_rot,
        w1p, b1r, wh, ws, whs, wt, bias32)

    code4 = code_nat.T
    ffv = ff16.reshape(N, 4, 4).transpose(1, 0, 2)
    pad_e = lambda x: jnp.pad(x, (0, E_PAD - E))
    edata = jnp.stack(
        [elem_directions[:, 0], elem_directions[:, 2], prop_E, prop_A,
         prop_I22, jnp.zeros((E,), f32), jnp.zeros((E,), f32),
         jnp.zeros((E,), f32)], axis=1)
    edata = jnp.pad(edata, ((0, E_PAD - E), (0, 0)))
    connA = pad_e(connectivity[:, 0].astype(jnp.int32))
    connB = pad_e(connectivity[:, 1].astype(jnp.int32))

    partial = _sc_sparse(code4[0], code4[1], code4[2], code4[3],
                         ffv[0], ffv[1], ffv[2], ffv[3],
                         nd8, edata, connA, connB)

    a = acc[0]
    eq_num, eq_cnt, fr_num, fr_cnt = a[0], a[1], a[2], a[3]
    sup_x, sup_y, sup_c, sup_z, sup_rc = a[4], a[5], a[6], a[7], a[8]
    p = partial.reshape(NW, 3, 16).sum(axis=(0, 2))
    L_eq = eq_num / jnp.maximum(eq_cnt, 1.0)
    L_free = fr_num / jnp.maximum(3.0 * fr_cnt, 1.0)
    L_sup = (sup_x / jnp.maximum(sup_c, 1.0)
             + sup_y / jnp.maximum(sup_c, 1.0)
             + sup_z / jnp.maximum(sup_rc, 1.0))
    return L_eq + L_free + L_sup + (p[0] + p[1] + p[2]) / E

# --- scband reference (transcript-rebuilt; emitter-appended) ---
"""Pipeline reference for scband-naive-physics-loss-51256139710809 (READ-ONLY COPY).

The authoritative reference and input builder live on the scoring server;
editing this copy changes nothing except your own understanding.
"""

import jax, jax.numpy as jnp
import numpy as np

N = 100000
E = 200000
H = 64
F_c = 1.0; M_c = 1.0; u_c = 1.0; theta_c = 1.0
W_EQ = 1.0; W_FREE = 1.0; W_SUP = 1.0; W_N = 1.0; W_M = 1.0; W_V = 1.0


def mlp(coords, W1, b1, W2, b2):
    h = jnp.tanh(coords @ W1 + b1)
    return h @ W2 + b2


def setup_inputs(seed: int = 0):
    key = jax.random.key(seed)
    ks = jax.random.split(key, 16)
    return {
        'coords': jax.random.normal(ks[0], (N, 3), jnp.float32),
        'connectivity': jax.random.randint(ks[1], (E, 2), 0, N),
        'face_element_id': jax.random.randint(ks[2], (N, 4), 0, E),
        'face_is_A_end': jax.random.randint(ks[3], (N, 4), 0, 2),
        'face_mask': jax.random.uniform(ks[4], (N, 4), jnp.float32),
        'elem_directions': jax.random.normal(ks[5], (E, 3), jnp.float32),
        'F_ext': jax.random.normal(ks[6], (N, 3), jnp.float32),
        'bc_disp': jax.random.uniform(ks[7], (N, 1), jnp.float32),
        'bc_rot': jax.random.uniform(ks[8], (N, 1), jnp.float32),
        'prop_E': jax.random.uniform(ks[9], (E,), jnp.float32) + 0.5,
        'prop_A': jax.random.uniform(ks[10], (E,), jnp.float32) + 0.5,
        'prop_I22': jax.random.uniform(ks[11], (E,), jnp.float32) + 0.5,
        'W1': jax.random.normal(ks[12], (3, H), jnp.float32) * 0.5,
        'b1': jnp.zeros((H,), jnp.float32),
        'W2': jax.random.normal(ks[13], (H, 15), jnp.float32) * 0.1,
        'b2': jnp.zeros((15,), jnp.float32),
    }


def _masked_mean(vals, mask):
    m = mask.astype(vals.dtype)
    return jnp.sum(vals * m) / jnp.maximum(jnp.sum(m), 1.0)


def _forward(coords, face_mask, elem_directions, F_ext, bc_disp, bc_rot,
             prop_E, prop_A, prop_I22, W1, b1, W2, b2,
             connectivity, face_element_id, face_is_A_end):
    pred = mlp(coords, W1, b1, W2, b2)
    disp = pred[:, 0:3]
    face_forces = pred[:, 3:15].reshape(-1, 4, 3)

    # _get_element_end_data_vectorized: scatter-overwrite per face slot
    ff_A = jnp.zeros((E, 3), pred.dtype)
    ff_B = jnp.zeros((E, 3), pred.dtype)
    for f in range(4):
        mask = face_mask[:, f] > 0.5
        elems = face_element_id[:, f]
        is_A = face_is_A_end[:, f]
        forces = face_forces[:, f, :]
        idx_A = jnp.where(mask & (is_A == 1), elems, E)
        idx_B = jnp.where(mask & (is_A == 0), elems, E)
        ff_A = ff_A.at[idx_A].set(forces, mode='drop')
        ff_B = ff_B.at[idx_B].set(forces, mode='drop')

    # _transform_to_local
    cos_a = elem_directions[:, 0:1]
    sin_a = elem_directions[:, 2:3]
    def rotate(v):
        vx = v[:, 0:1]; vz = v[:, 1:2]; vt = v[:, 2:3]
        return jnp.concatenate([vx * cos_a + vz * sin_a, -vx * sin_a + vz * cos_a, vt], axis=1)
    ff_A_loc = rotate(ff_A)
    ff_B_loc = rotate(ff_B)

    # B1 equilibrium at free nodes
    sum_forces = face_forces.sum(axis=1)
    residual = sum_forces - F_ext
    free_mask = bc_disp[:, 0] < 0.5
    res_sq = (residual[:, 0] / F_c) ** 2 + (residual[:, 1] / F_c) ** 2 + (residual[:, 2] / M_c) ** 2
    L_eq = _masked_mean(res_sq, free_mask)

    # B2 free-face forces = 0
    free = face_mask < 0.5
    ff_nd = jnp.stack([face_forces[:, :, 0] / F_c, face_forces[:, :, 1] / F_c, face_forces[:, :, 2] / M_c], axis=2)
    free3 = jnp.broadcast_to(free[:, :, None], ff_nd.shape)
    L_free = _masked_mean(ff_nd ** 2, free3)

    # B3 support displacements = 0
    sup_disp = bc_disp[:, 0] > 0.5
    sup_rot = bc_rot[:, 0] > 0.5
    L_sup = (_masked_mean((disp[:, 0] / u_c) ** 2, sup_disp)
             + _masked_mean((disp[:, 1] / u_c) ** 2, sup_disp)
             + _masked_mean((disp[:, 2] / theta_c) ** 2, sup_rot))

    # C0 autograd derivatives (nested jax.grad mirrors torch.autograd.grad on .sum())
    def ux_sum(c):
        return mlp(c, W1, b1, W2, b2)[:, 0].sum()
    def uz_sum(c):
        return mlp(c, W1, b1, W2, b2)[:, 1].sum()
    grad_ux = jax.grad(ux_sum)(coords)
    grad_uz = jax.grad(uz_sum)(coords)
    dux_dx = grad_ux[:, 0]
    duz_dz = grad_uz[:, 2]
    def duz_dx_sum(c):
        return jax.grad(uz_sum)(c)[:, 0].sum()
    def dux_dz_sum(c):
        return jax.grad(ux_sum)(c)[:, 2].sum()
    d2uz_dx2 = jax.grad(duz_dx_sum)(coords)[:, 0]
    d2ux_dz2 = jax.grad(dux_dz_sum)(coords)[:, 2]
    def d2uz_sum(c):
        return jax.grad(duz_dx_sum)(c)[:, 0].sum()
    def d2ux_sum(c):
        return jax.grad(dux_dz_sum)(c)[:, 2].sum()
    d3uz_dx3 = jax.grad(d2uz_sum)(coords)[:, 0]
    d3ux_dz3 = jax.grad(d2ux_sum)(coords)[:, 2]

    # _classify_elements
    dxe = elem_directions[:, 0]; dze = elem_directions[:, 2]
    is_horiz = jnp.abs(dxe) > jnp.abs(dze)

    nA = connectivity[:, 0]; nB = connectivity[:, 1]
    EA = prop_E * prop_A
    EI = prop_E * prop_I22

    # C1 axial
    strain_A = jnp.where(is_horiz, dux_dx[nA], duz_dz[nA])
    strain_B = jnp.where(is_horiz, dux_dx[nB], duz_dz[nB])
    N_A = EA * strain_A; N_B = EA * strain_B
    L_Nx = (((ff_A_loc[:, 0] + N_A) / F_c) ** 2 + ((ff_B_loc[:, 0] - N_B) / F_c) ** 2).mean()

    # C2 moment
    curv_A = jnp.where(is_horiz, d2uz_dx2[nA], -d2ux_dz2[nA])
    curv_B = jnp.where(is_horiz, d2uz_dx2[nB], -d2ux_dz2[nB])
    M_A = EI * curv_A; M_B = EI * curv_B
    L_M = (((ff_A_loc[:, 2] + M_A) / M_c) ** 2 + ((ff_B_loc[:, 2] - M_B) / M_c) ** 2).mean()

    # C3 shear
    d3w_A = jnp.where(is_horiz, d3uz_dx3[nA], -d3ux_dz3[nA])
    d3w_B = jnp.where(is_horiz, d3uz_dx3[nB], -d3ux_dz3[nB])
    V_A = EI * d3w_A; V_B = EI * d3w_B
    L_V = (((ff_A_loc[:, 1] + V_A) / F_c) ** 2 + ((ff_B_loc[:, 1] - V_B) / F_c) ** 2).mean()

    return W_EQ * L_eq + W_FREE * L_free + W_SUP * L_sup + W_N * L_Nx + W_M * L_M + W_V * L_V


def reference(coords, connectivity, face_element_id, face_is_A_end, face_mask,
              elem_directions, F_ext, bc_disp, bc_rot, prop_E, prop_A, prop_I22,
              W1, b1, W2, b2):
    return _forward(coords, face_mask, elem_directions, F_ext, bc_disp, bc_rot,
                    prop_E, prop_A, prop_I22, W1, b1, W2, b2,
                    connectivity, face_element_id, face_is_A_end)

if __name__ == "__main__":
    import jax
    _d = setup_inputs()
    print(jax.jit(kernel)(*tuple(_d.values())))

</pallas_src>

<mosaic_0001>
#map = affine_map<(d0, d1) -> (0)>
#map1 = affine_map<(d0, d1) -> (0, 0)>
module attributes {stable_mosaic.version = 14 : i64} {
  func.func @_sc_body(%arg0: i32, %arg1: i32, %arg2: memref<100000xi32, #tpu.memory_space<hbm>>, %arg3: memref<100000xi32, #tpu.memory_space<hbm>>, %arg4: memref<100000xi32, #tpu.memory_space<hbm>>, %arg5: memref<100000xi32, #tpu.memory_space<hbm>>, %arg6: memref<100000x4xf32, #tpu.memory_space<hbm>>, %arg7: memref<100000x4xf32, #tpu.memory_space<hbm>>, %arg8: memref<100000x4xf32, #tpu.memory_space<hbm>>, %arg9: memref<100000x4xf32, #tpu.memory_space<hbm>>, %arg10: memref<100000x8xf32, #tpu.memory_space<hbm>>, %arg11: memref<200704x8xf32, #tpu.memory_space<hbm>>, %arg12: memref<200704xi32, #tpu.memory_space<hbm>>, %arg13: memref<200704xi32, #tpu.memory_space<hbm>>, %arg14: memref<1536xf32, #tpu.memory_space<hbm>>, %arg15: memref<6272xf32, #tpu.memory_space<vmem>>, %arg16: memref<6272xf32, #tpu.memory_space<vmem>>, %arg17: memref<6272xf32, #tpu.memory_space<vmem>>, %arg18: memref<6272xf32, #tpu.memory_space<vmem>>, %arg19: memref<6272xf32, #tpu.memory_space<vmem>>, %arg20: memref<6272xf32, #tpu.memory_space<vmem>>, %arg21: memref<5000xi32, #tpu.memory_space<vmem>>, %arg22: memref<5000x4xf32, #tpu.memory_space<vmem>>, %arg23: memref<896xi32, #tpu.memory_space<vmem>>, %arg24: memref<896xi32, #tpu.memory_space<vmem>>, %arg25: memref<896x8xf32, #tpu.memory_space<vmem>>, %arg26: memref<896x8xf32, #tpu.memory_space<vmem>>, %arg27: memref<896x8xf32, #tpu.memory_space<vmem>>, %arg28: memref<48xf32, #tpu.memory_space<vmem>>, %arg29: memref<!tpu.dma_semaphore, #tpu.memory_space<semaphore_mem>>) attributes {dimension_semantics = [#tpu.dimension_semantics<core_parallel>, #tpu.dimension_semantics<subcore_parallel>], iteration_bounds = array<i64: 2, 16>, scalar_prefetch = 0 : i64, scratch_operands = 15 : i64, tpu.core_type = #tpu.core_type<sc_vector_subcore>, window_params = [{transform_indices = #map}, {transform_indices = #map}, {transform_indices = #map}, {transform_indices = #map}, {transform_indices = #map1}, {transform_indices = #map1}, {transform_indices = #map1}, {transform_indices = #map1}, {transform_indices = #map1}, {transform_indices = #map1}, {transform_indices = #map}, {transform_indices = #map}, {transform_indices = #map}]} {
    %mul3A = arith.constant 2 : i32
    %mul3A_0 = arith.muli %arg1, %mul3A : i32
    %add3A = arith.addi %mul3A_0, %arg0 : i32
    %mul3A_1 = arith.constant 6272 : i32
    %mul3A_2 = arith.muli %add3A, %mul3A_1 : i32
    %iota3A = tpu.iota {dimensions = array<i32: 0>} : vector<16xi32>
    %broadcast_in_dim3A = arith.constant 0.000000e+00 : f32
    %broadcast_in_dim3A_3 = vector.broadcast %broadcast_in_dim3A : f32 to vector<16xf32>
    %broadcast_in_dim3A_4 = arith.constant 0 : i32
    %broadcast_in_dim3A_5 = vector.broadcast %broadcast_in_dim3A_4 : i32 to vector<16xi32>
    %scan3A = arith.constant 0 : i32
    %scan3A_6 = arith.constant 0 : i32
    %scan3A_7 = arith.constant 392 : i32
    %scan3A_8 = arith.addi %scan3A_6, %scan3A_7 : i32
    %scan3A_9 = arith.constant 1 : i32
    %scan3A_10 = scf.for %scan3A_53 = %scan3A_6 to %scan3A_8 step %scan3A_9 iter_args(%scan3A_54 = %scan3A) -> (i32)  : i32 {
      %mul3A_55 = arith.constant 16 : i32
      %mul3A_56 = arith.muli %scan3A_53, %mul3A_55 : i32
      %swap3A_57 = arith.index_cast %mul3A_56 : i32 to index
      %swap3A_58 = tpu.vector_load %arg15[%swap3A_57] {strides = array<i32>} : memref<6272xf32, #tpu.memory_space<vmem>>, vector<16xf32>,
      tpu.vector_store %arg15[%swap3A_57], %broadcast_in_dim3A_3 {strides = array<i32>} : memref<6272xf32, #tpu.memory_space<vmem>>, vector<16xf32>,
      %mul3A_59 = arith.constant 16 : i32
      %mul3A_60 = arith.muli %scan3A_53, %mul3A_59 : i32
      %swap3A_61 = arith.index_cast %mul3A_60 : i32 to index
      %swap3A_62 = tpu.vector_load %arg16[%swap3A_61] {strides = array<i32>} : memref<6272xf32, #tpu.memory_space<vmem>>, vector<16xf32>,
      tpu.vector_store %arg16[%swap3A_61], %broadcast_in_dim3A_3 {strides = array<i32>} : memref<6272xf32, #tpu.memory_space<vmem>>, vector<16xf32>,
      %mul3A_63 = arith.constant 16 : i32
      %mul3A_64 = arith.muli %scan3A_53, %mul3A_63 : i32
      %swap3A_65 = arith.index_cast %mul3A_64 : i32 to index
      %swap3A_66 = tpu.vector_load %arg17[%swap3A_65] {strides = array<i32>} : memref<6272xf32, #tpu.memory_space<vmem>>, vector<16xf32>,
      tpu.vector_store %arg17[%swap3A_65], %broadcast_in_dim3A_3 {strides = array<i32>} : memref<6272xf32, #tpu.memory_space<vmem>>, vector<16xf32>,
      %mul3A_67 = arith.constant 16 : i32
      %mul3A_68 = arith.muli %scan3A_53, %mul3A_67 : i32
      %swap3A_69 = arith.index_cast %mul3A_68 : i32 to index
      %swap3A_70 = tpu.vector_load %arg18[%swap3A_69] {strides = array<i32>} : memref<6272xf32, #tpu.memory_space<vmem>>, vector<16xf32>,
      tpu.vector_store %arg18[%swap3A_69], %broadcast_in_dim3A_3 {strides = array<i32>} : memref<6272xf32, #tpu.memory_space<vmem>>, vector<16xf32>,
      %mul3A_71 = arith.constant 16 : i32
      %mul3A_72 = arith.muli %scan3A_53, %mul3A_71 : i32
      %swap3A_73 = arith.index_cast %mul3A_72 : i32 to index
      %swap3A_74 = tpu.vector_load %arg19[%swap3A_73] {strides = array<i32>} : memref<6272xf32, #tpu.memory_space<vmem>>, vector<16xf32>,
      tpu.vector_store %arg19[%swap3A_73], %broadcast_in_dim3A_3 {strides = array<i32>} : memref<6272xf32, #tpu.memory_space<vmem>>, vector<16xf32>,
      %mul3A_75 = arith.constant 16 : i32
      %mul3A_76 = arith.muli %scan3A_53, %mul3A_75 : i32
      %swap3A_77 = arith.index_cast %mul3A_76 : i32 to index
      %swap3A_78 = tpu.vector_load %arg20[%swap3A_77] {strides = array<i32>} : memref<6272xf32, #tpu.memory_space<vmem>>, vector<16xf32>,
      tpu.vector_store %arg20[%swap3A_77], %broadcast_in_dim3A_3 {strides = array<i32>} : memref<6272xf32, #tpu.memory_space<vmem>>, vector<16xf32>,
      %scan3A_79 = arith.constant 0 : i32
      scf.yield %scan3A_79 : i32
    }
    %scan3A_11 = arith.constant 392 : i32
    %scan3A_12 = arith.constant 0 : i32
    %scan3A_13 = arith.constant 0 : i32
    %scan3A_14 = arith.constant 20 : i32
    %scan3A_15 = arith.addi %scan3A_13, %scan3A_14 : i32
    %scan3A_16 = arith.constant 1 : i32
    %scan3A_17 = scf.for %scan3A_53 = %scan3A_13 to %scan3A_15 step %scan3A_16 iter_args(%scan3A_54 = %scan3A_12) -> (i32)  : i32 {
      %mul3A_55 = arith.constant 5000 : i32
      %mul3A_56 = arith.muli %scan3A_53, %mul3A_55 : i32
      "tpu.region"() ({
        %run_scoped3A = tpu.sem_alloc : memref<!tpu.dma_semaphore, #tpu.memory_space<semaphore_mem>>
        %dma_start3A = tpu.memref_slice %arg2[%mul3A_56] : memref<100000xi32, #tpu.memory_space<hbm>> -> memref<5000xi32, #tpu.memory_space<hbm>>
        %dma_start3A_67 = tpu.memref_slice %arg2[%mul3A_56] : memref<100000xi32, #tpu.memory_space<hbm>> -> memref<5000xi32, #tpu.memory_space<hbm>>
        tpu.enqueue_dma source(%dma_start3A_67 : memref<5000xi32, #tpu.memory_space<hbm>>) target(%arg21 : memref<5000xi32, #tpu.memory_space<vmem>>) target_semaphore(%run_scoped3A : memref<!tpu.dma_semaphore, #tpu.memory_space<semaphore_mem>>)
        %dma_wait3A = tpu.memref_slice %arg2[%mul3A_56] : memref<100000xi32, #tpu.memory_space<hbm>> -> memref<5000xi32, #tpu.memory_space<hbm>>
        %dma_wait3A_68 = tpu.memref_slice %arg2[%mul3A_56] : memref<100000xi32, #tpu.memory_space<hbm>> -> memref<5000xi32, #tpu.memory_space<hbm>>
        tpu.wait_dma2 semaphore(%run_scoped3A : memref<!tpu.dma_semaphore, #tpu.memory_space<semaphore_mem>>) src(%dma_wait3A_68 : memref<5000xi32, #tpu.memory_space<hbm>>) dst(%arg21 : memref<5000xi32, #tpu.memory_space<vmem>>)
        tpu.yield
      }) : () -> ()
      %mul3A_57 = arith.constant 5000 : i32
      %mul3A_58 = arith.muli %scan3A_53, %mul3A_57 : i32
      "tpu.region"() ({
        %run_scoped3A = tpu.sem_alloc : memref<!tpu.dma_semaphore, #tpu.memory_space<semaphore_mem>>
        %dma_start3A = arith.constant 0 : i32
        %dma_start3A_67 = tpu.memref_slice %arg6[%mul3A_58, %dma_start3A] : memref<100000x4xf32, #tpu.memory_space<hbm>> -> memref<5000x4xf32, #tpu.memory_space<hbm>>
        %dma_start3A_68 = arith.constant 0 : i32
        %dma_start3A_69 = tpu.memref_slice %arg6[%mul3A_58, %dma_start3A_68] : memref<100000x4xf32, #tpu.memory_space<hbm>> -> memref<5000x4xf32, #tpu.memory_space<hbm>>
        tpu.enqueue_dma source(%dma_start3A_69 : memref<5000x4xf32, #tpu.memory_space<hbm>>) target(%arg22 : memref<5000x4xf32, #tpu.memory_space<vmem>>) target_semaphore(%run_scoped3A : memref<!tpu.dma_semaphore, #tpu.memory_space<semaphore_mem>>)
        %dma_wait3A = arith.constant 0 : i32
        %dma_wait3A_70 = tpu.memref_slice %arg6[%mul3A_58, %dma_wait3A] : memref<100000x4xf32, #tpu.memory_space<hbm>> -> memref<5000x4xf32, #tpu.memory_space<hbm>>
        %dma_wait3A_71 = arith.constant 0 : i32
        %dma_wait3A_72 = tpu.memref_slice %arg6[%mul3A_58, %dma_wait3A_71] : memref<100000x4xf32, #tpu.memory_space<hbm>> -> memref<5000x4xf32, #tpu.memory_space<hbm>>
        tpu.wait_dma2 semaphore(%run_scoped3A : memref<!tpu.dma_semaphore, #tpu.memory_space<semaphore_mem>>) src(%dma_wait3A_72 : memref<5000x4xf32, #tpu.memory_space<hbm>>) dst(%arg22 : memref<5000x4xf32, #tpu.memory_space<vmem>>)
        tpu.yield
      }) : () -> ()
      %scan3A_59 = arith.constant 0 : i32
      %scan3A_60 = arith.constant 0 : i32
      %scan3A_61 = arith.constant 312 : i32
      %scan3A_62 = arith.addi %scan3A_60, %scan3A_61 : i32
      %scan3A_63 = arith.constant 1 : i32
      %scan3A_64 = scf.for %scan3A_67 = %scan3A_60 to %scan3A_62 step %scan3A_63 iter_args(%scan3A_68 = %scan3A_59) -> (i32)  : i32 {
        %mul3A_69 = arith.constant 16 : i32
        %mul3A_70 = arith.muli %scan3A_67, %mul3A_69 : i32
        %get3A = arith.index_cast %mul3A_70 : i32 to index
        %get3A_71 = tpu.vector_load %arg21[%get3A] {strides = array<i32>} : memref<5000xi32, #tpu.memory_space<vmem>>, vector<16xi32>,
        %ge3A = arith.constant 0 : i32
        %ge3A_72 = vector.broadcast %ge3A : i32 to vector<16xi32>
        %ge3A_73 = arith.cmpi sge, %get3A_71, %ge3A_72 : vector<16xi32>
        %and3A = arith.constant 262143 : i32
        %and3A_74 = vector.broadcast %and3A : i32 to vector<16xi32>
        %and3A_75 = arith.andi %get3A_71, %and3A_74 : vector<16xi32>
        %ge3A_76 = vector.broadcast %mul3A_2 : i32 to vector<16xi32>
        %ge3A_77 = arith.cmpi sge, %and3A_75, %ge3A_76 : vector<16xi32>
        %and3A_78 = arith.andi %ge3A_73, %ge3A_77 : vector<16xi1>
        %add3A_79 = arith.constant 6272 : i32
        %add3A_80 = arith.addi %mul3A_2, %add3A_79 : i32
        %lt3A = vector.broadcast %add3A_80 : i32 to vector<16xi32>
        %lt3A_81 = arith.cmpi slt, %and3A_75, %lt3A : vector<16xi32>
        %and3A_82 = arith.andi %and3A_78, %lt3A_81 : vector<16xi1>
        %and3A_83 = arith.constant 262144 : i32
        %and3A_84 = vector.broadcast %and3A_83 : i32 to vector<16xi32>
        %and3A_85 = arith.andi %get3A_71, %and3A_84 : vector<16xi32>
        %ne3A = arith.constant 0 : i32
        %ne3A_86 = vector.broadcast %ne3A : i32 to vector<16xi32>
        %ne3A_87 = arith.cmpi ne, %and3A_85, %ne3A_86 : vector<16xi32>
        %and3A_88 = arith.andi %and3A_82, %ne3A_87 : vector<16xi1>
        %not3A = arith.constant dense<true> : vector<16xi1>
        %not3A_89 = arith.xori %ne3A_87, %not3A : vector<16xi1>
        %and3A_90 = arith.andi %and3A_82, %not3A_89 : vector<16xi1>
        %sub3A = vector.broadcast %mul3A_2 : i32 to vector<16xi32>
        %sub3A_91 = arith.subi %and3A_75, %sub3A : vector<16xi32>
        %mul3A_92 = arith.constant 16 : i32
        %mul3A_93 = arith.muli %scan3A_67, %mul3A_92 : i32
        %add3A_94 = vector.broadcast %mul3A_93 : i32 to vector<16xi32>
        %add3A_95 = arith.addi %add3A_94, %iota3A : vector<16xi32>
        %gather3A = tpu.vector_load_idx %arg22[%add3A_95, %broadcast_in_dim3A_5] : memref<5000x4xf32, #tpu.memory_space<vmem>>[vector<16xi32>, vector<16xi32>], vector<16xf32>,
        %add3A_96 = arith.constant 1 : i32
        %add3A_97 = vector.broadcast %add3A_96 : i32 to vector<16xi32>
        %add3A_98 = arith.addi %broadcast_in_dim3A_5, %add3A_97 : vector<16xi32>
        %gather3A_99 = tpu.vector_load_idx %arg22[%add3A_95, %add3A_98] : memref<5000x4xf32, #tpu.memory_space<vmem>>[vector<16xi32>, vector<16xi32>], vector<16xf32>,
        %add3A_100 = arith.constant 2 : i32
        %add3A_101 = vector.broadcast %add3A_100 : i32 to vector<16xi32>
        %add3A_102 = arith.addi %broadcast_in_dim3A_5, %add3A_101 : vector<16xi32>
        %gather3A_103 = tpu.vector_load_idx %arg22[%add3A_95, %add3A_102] : memref<5000x4xf32, #tpu.memory_space<vmem>>[vector<16xi32>, vector<16xi32>], vector<16xf32>,
        tpu.vector_store_idx %arg15[%sub3A_91], %gather3A masked %and3A_88 : memref<6272xf32, #tpu.memory_space<vmem>>[vector<16xi32>], vector<16xf32>, vector<16xi1>
        tpu.vector_store_idx %arg16[%sub3A_91], %gather3A_99 masked %and3A_88 : memref<6272xf32, #tpu.memory_space<vmem>>[vector<16xi32>], vector<16xf32>, vector<16xi1>
        tpu.vector_store_idx %arg17[%sub3A_91], %gather3A_103 masked %and3A_88 : memref<6272xf32, #tpu.memory_space<vmem>>[vector<16xi32>], vector<16xf32>, vector<16xi1>
        tpu.vector_store_idx %arg18[%sub3A_91], %gather3A masked %and3A_90 : memref<6272xf32, #tpu.memory_space<vmem>>[vector<16xi32>], vector<16xf32>, vector<16xi1>
        tpu.vector_store_idx %arg19[%sub3A_91], %gather3A_99 masked %and3A_90 : memref<6272xf32, #tpu.memory_space<vmem>>[vector<16xi32>], vector<16xf32>, vector<16xi1>
        tpu.vector_store_idx %arg20[%sub3A_91], %gather3A_103 masked %and3A_90 : memref<6272xf32, #tpu.memory_space<vmem>>[vector<16xi32>], vector<16xf32>, vector<16xi1>
        %scan3A_104 = arith.constant 0 : i32
        scf.yield %scan3A_104 : i32
      }
      %scan3A_65 = arith.constant 312 : i32
      %scan3A_66 = arith.constant 0 : i32
      scf.yield %scan3A_66 : i32
    }
    %scan3A_18 = arith.constant 20 : i32
    %scan3A_19 = arith.constant 0 : i32
    %scan3A_20 = arith.constant 0 : i32
    %scan3A_21 = arith.constant 20 : i32
    %scan3A_22 = arith.addi %scan3A_20, %scan3A_21 : i32
    %scan3A_23 = arith.constant 1 : i32
    %scan3A_24 = scf.for %scan3A_53 = %scan3A_20 to %scan3A_22 step %scan3A_23 iter_args(%scan3A_54 = %scan3A_19) -> (i32)  : i32 {
      %mul3A_55 = arith.constant 5000 : i32
      %mul3A_56 = arith.muli %scan3A_53, %mul3A_55 : i32
      "tpu.region"() ({
        %run_scoped3A = tpu.sem_alloc : memref<!tpu.dma_semaphore, #tpu.memory_space<semaphore_mem>>
        %dma_start3A = tpu.memref_slice %arg3[%mul3A_56] : memref<100000xi32, #tpu.memory_space<hbm>> -> memref<5000xi32, #tpu.memory_space<hbm>>
        %dma_start3A_67 = tpu.memref_slice %arg3[%mul3A_56] : memref<100000xi32, #tpu.memory_space<hbm>> -> memref<5000xi32, #tpu.memory_space<hbm>>
        tpu.enqueue_dma source(%dma_start3A_67 : memref<5000xi32, #tpu.memory_space<hbm>>) target(%arg21 : memref<5000xi32, #tpu.memory_space<vmem>>) target_semaphore(%run_scoped3A : memref<!tpu.dma_semaphore, #tpu.memory_space<semaphore_mem>>)
        %dma_wait3A = tpu.memref_slice %arg3[%mul3A_56] : memref<100000xi32, #tpu.memory_space<hbm>> -> memref<5000xi32, #tpu.memory_space<hbm>>
        %dma_wait3A_68 = tpu.memref_slice %arg3[%mul3A_56] : memref<100000xi32, #tpu.memory_space<hbm>> -> memref<5000xi32, #tpu.memory_space<hbm>>
        tpu.wait_dma2 semaphore(%run_scoped3A : memref<!tpu.dma_semaphore, #tpu.memory_space<semaphore_mem>>) src(%dma_wait3A_68 : memref<5000xi32, #tpu.memory_space<hbm>>) dst(%arg21 : memref<5000xi32, #tpu.memory_space<vmem>>)
        tpu.yield
      }) : () -> ()
      %mul3A_57 = arith.constant 5000 : i32
      %mul3A_58 = arith.muli %scan3A_53, %mul3A_57 : i32
      "tpu.region"() ({
        %run_scoped3A = tpu.sem_alloc : memref<!tpu.dma_semaphore, #tpu.memory_space<semaphore_mem>>
        %dma_start3A = arith.constant 0 : i32
        %dma_start3A_67 = tpu.memref_slice %arg7[%mul3A_58, %dma_start3A] : memref<100000x4xf32, #tpu.memory_space<hbm>> -> memref<5000x4xf32, #tpu.memory_space<hbm>>
        %dma_start3A_68 = arith.constant 0 : i32
        %dma_start3A_69 = tpu.memref_slice %arg7[%mul3A_58, %dma_start3A_68] : memref<100000x4xf32, #tpu.memory_space<hbm>> -> memref<5000x4xf32, #tpu.memory_space<hbm>>
        tpu.enqueue_dma source(%dma_start3A_69 : memref<5000x4xf32, #tpu.memory_space<hbm>>) target(%arg22 : memref<5000x4xf32, #tpu.memory_space<vmem>>) target_semaphore(%run_scoped3A : memref<!tpu.dma_semaphore, #tpu.memory_space<semaphore_mem>>)
        %dma_wait3A = arith.constant 0 : i32
        %dma_wait3A_70 = tpu.memref_slice %arg7[%mul3A_58, %dma_wait3A] : memref<100000x4xf32, #tpu.memory_space<hbm>> -> memref<5000x4xf32, #tpu.memory_space<hbm>>
        %dma_wait3A_71 = arith.constant 0 : i32
        %dma_wait3A_72 = tpu.memref_slice %arg7[%mul3A_58, %dma_wait3A_71] : memref<100000x4xf32, #tpu.memory_space<hbm>> -> memref<5000x4xf32, #tpu.memory_space<hbm>>
        tpu.wait_dma2 semaphore(%run_scoped3A : memref<!tpu.dma_semaphore, #tpu.memory_space<semaphore_mem>>) src(%dma_wait3A_72 : memref<5000x4xf32, #tpu.memory_space<hbm>>) dst(%arg22 : memref<5000x4xf32, #tpu.memory_space<vmem>>)
        tpu.yield
      }) : () -> ()
      %scan3A_59 = arith.constant 0 : i32
      %scan3A_60 = arith.constant 0 : i32
      %scan3A_61 = arith.constant 312 : i32
      %scan3A_62 = arith.addi %scan3A_60, %scan3A_61 : i32
      %scan3A_63 = arith.constant 1 : i32
      %scan3A_64 = scf.for %scan3A_67 = %scan3A_60 to %scan3A_62 step %scan3A_63 iter_args(%scan3A_68 = %scan3A_59) -> (i32)  : i32 {
        %mul3A_69 = arith.constant 16 : i32
        %mul3A_70 = arith.muli %scan3A_67, %mul3A_69 : i32
        %get3A = arith.index_cast %mul3A_70 : i32 to index
        %get3A_71 = tpu.vector_load %arg21[%get3A] {strides = array<i32>} : memref<5000xi32, #tpu.memory_space<vmem>>, vector<16xi32>,
        %ge3A = arith.constant 0 : i32
        %ge3A_72 = vector.broadcast %ge3A : i32 to vector<16xi32>
        %ge3A_73 = arith.cmpi sge, %get3A_71, %ge3A_72 : vector<16xi32>
        %and3A = arith.constant 262143 : i32
        %and3A_74 = vector.broadcast %and3A : i32 to vector<16xi32>
        %and3A_75 = arith.andi %get3A_71, %and3A_74 : vector<16xi32>
        %ge3A_76 = vector.broadcast %mul3A_2 : i32 to vector<16xi32>
        %ge3A_77 = arith.cmpi sge, %and3A_75, %ge3A_76 : vector<16xi32>
        %and3A_78 = arith.andi %ge3A_73, %ge3A_77 : vector<16xi1>
        %add3A_79 = arith.constant 6272 : i32
        %add3A_80 = arith.addi %mul3A_2, %add3A_79 : i32
        %lt3A = vector.broadcast %add3A_80 : i32 to vector<16xi32>
        %lt3A_81 = arith.cmpi slt, %and3A_75, %lt3A : vector<16xi32>
        %and3A_82 = arith.andi %and3A_78, %lt3A_81 : vector<16xi1>
        %and3A_83 = arith.constant 262144 : i32
        %and3A_84 = vector.broadcast %and3A_83 : i32 to vector<16xi32>
        %and3A_85 = arith.andi %get3A_71, %and3A_84 : vector<16xi32>
        %ne3A = arith.constant 0 : i32
        %ne3A_86 = vector.broadcast %ne3A : i32 to vector<16xi32>
        %ne3A_87 = arith.cmpi ne, %and3A_85, %ne3A_86 : vector<16xi32>
        %and3A_88 = arith.andi %and3A_82, %ne3A_87 : vector<16xi1>
        %not3A = arith.constant dense<true> : vector<16xi1>
        %not3A_89 = arith.xori %ne3A_87, %not3A : vector<16xi1>
        %and3A_90 = arith.andi %and3A_82, %not3A_89 : vector<16xi1>
        %sub3A = vector.broadcast %mul3A_2 : i32 to vector<16xi32>
        %sub3A_91 = arith.subi %and3A_75, %sub3A : vector<16xi32>
        %mul3A_92 = arith.constant 16 : i32
        %mul3A_93 = arith.muli %scan3A_67, %mul3A_92 : i32
        %add3A_94 = vector.broadcast %mul3A_93 : i32 to vector<16xi32>
        %add3A_95 = arith.addi %add3A_94, %iota3A : vector<16xi32>
        %gather3A = tpu.vector_load_idx %arg22[%add3A_95, %broadcast_in_dim3A_5] : memref<5000x4xf32, #tpu.memory_space<vmem>>[vector<16xi32>, vector<16xi32>], vector<16xf32>,
        %add3A_96 = arith.constant 1 : i32
        %add3A_97 = vector.broadcast %add3A_96 : i32 to vector<16xi32>
        %add3A_98 = arith.addi %broadcast_in_dim3A_5, %add3A_97 : vector<16xi32>
        %gather3A_99 = tpu.vector_load_idx %arg22[%add3A_95, %add3A_98] : memref<5000x4xf32, #tpu.memory_space<vmem>>[vector<16xi32>, vector<16xi32>], vector<16xf32>,
        %add3A_100 = arith.constant 2 : i32
        %add3A_101 = vector.broadcast %add3A_100 : i32 to vector<16xi32>
        %add3A_102 = arith.addi %broadcast_in_dim3A_5, %add3A_101 : vector<16xi32>
        %gather3A_103 = tpu.vector_load_idx %arg22[%add3A_95, %add3A_102] : memref<5000x4xf32, #tpu.memory_space<vmem>>[vector<16xi32>, vector<16xi32>], vector<16xf32>,
        tpu.vector_store_idx %arg15[%sub3A_91], %gather3A masked %and3A_88 : memref<6272xf32, #tpu.memory_space<vmem>>[vector<16xi32>], vector<16xf32>, vector<16xi1>
        tpu.vector_store_idx %arg16[%sub3A_91], %gather3A_99 masked %and3A_88 : memref<6272xf32, #tpu.memory_space<vmem>>[vector<16xi32>], vector<16xf32>, vector<16xi1>
        tpu.vector_store_idx %arg17[%sub3A_91], %gather3A_103 masked %and3A_88 : memref<6272xf32, #tpu.memory_space<vmem>>[vector<16xi32>], vector<16xf32>, vector<16xi1>
        tpu.vector_store_idx %arg18[%sub3A_91], %gather3A masked %and3A_90 : memref<6272xf32, #tpu.memory_space<vmem>>[vector<16xi32>], vector<16xf32>, vector<16xi1>
        tpu.vector_store_idx %arg19[%sub3A_91], %gather3A_99 masked %and3A_90 : memref<6272xf32, #tpu.memory_space<vmem>>[vector<16xi32>], vector<16xf32>, vector<16xi1>
        tpu.vector_store_idx %arg20[%sub3A_91], %gather3A_103 masked %and3A_90 : memref<6272xf32, #tpu.memory_space<vmem>>[vector<16xi32>], vector<16xf32>, vector<16xi1>
        %scan3A_104 = arith.constant 0 : i32
        scf.yield %scan3A_104 : i32
      }
      %scan3A_65 = arith.constant 312 : i32
      %scan3A_66 = arith.constant 0 : i32
      scf.yield %scan3A_66 : i32
    }
    %scan3A_25 = arith.constant 20 : i32
    %scan3A_26 = arith.constant 0 : i32
    %scan3A_27 = arith.constant 0 : i32
    %scan3A_28 = arith.constant 20 : i32
    %scan3A_29 = arith.addi %scan3A_27, %scan3A_28 : i32
    %scan3A_30 = arith.constant 1 : i32
    %scan3A_31 = scf.for %scan3A_53 = %scan3A_27 to %scan3A_29 step %scan3A_30 iter_args(%scan3A_54 = %scan3A_26) -> (i32)  : i32 {
      %mul3A_55 = arith.constant 5000 : i32
      %mul3A_56 = arith.muli %scan3A_53, %mul3A_55 : i32
      "tpu.region"() ({
        %run_scoped3A = tpu.sem_alloc : memref<!tpu.dma_semaphore, #tpu.memory_space<semaphore_mem>>
        %dma_start3A = tpu.memref_slice %arg4[%mul3A_56] : memref<100000xi32, #tpu.memory_space<hbm>> -> memref<5000xi32, #tpu.memory_space<hbm>>
        %dma_start3A_67 = tpu.memref_slice %arg4[%mul3A_56] : memref<100000xi32, #tpu.memory_space<hbm>> -> memref<5000xi32, #tpu.memory_space<hbm>>
        tpu.enqueue_dma source(%dma_start3A_67 : memref<5000xi32, #tpu.memory_space<hbm>>) target(%arg21 : memref<5000xi32, #tpu.memory_space<vmem>>) target_semaphore(%run_scoped3A : memref<!tpu.dma_semaphore, #tpu.memory_space<semaphore_mem>>)
        %dma_wait3A = tpu.memref_slice %arg4[%mul3A_56] : memref<100000xi32, #tpu.memory_space<hbm>> -> memref<5000xi32, #tpu.memory_space<hbm>>
        %dma_wait3A_68 = tpu.memref_slice %arg4[%mul3A_56] : memref<100000xi32, #tpu.memory_space<hbm>> -> memref<5000xi32, #tpu.memory_space<hbm>>
        tpu.wait_dma2 semaphore(%run_scoped3A : memref<!tpu.dma_semaphore, #tpu.memory_space<semaphore_mem>>) src(%dma_wait3A_68 : memref<5000xi32, #tpu.memory_space<hbm>>) dst(%arg21 : memref<5000xi32, #tpu.memory_space<vmem>>)
        tpu.yield
      }) : () -> ()
      %mul3A_57 = arith.constant 5000 : i32
      %mul3A_58 = arith.muli %scan3A_53, %mul3A_57 : i32
      "tpu.region"() ({
        %run_scoped3A = tpu.sem_alloc : memref<!tpu.dma_semaphore, #tpu.memory_space<semaphore_mem>>
        %dma_start3A = arith.constant 0 : i32
        %dma_start3A_67 = tpu.memref_slice %arg8[%mul3A_58, %dma_start3A] : memref<100000x4xf32, #tpu.memory_space<hbm>> -> memref<5000x4xf32, #tpu.memory_space<hbm>>
        %dma_start3A_68 = arith.constant 0 : i32
        %dma_start3A_69 = tpu.memref_slice %arg8[%mul3A_58, %dma_start3A_68] : memref<100000x4xf32, #tpu.memory_space<hbm>> -> memref<5000x4xf32, #tpu.memory_space<hbm>>
        tpu.enqueue_dma source(%dma_start3A_69 : memref<5000x4xf32, #tpu.memory_space<hbm>>) target(%arg22 : memref<5000x4xf32, #tpu.memory_space<vmem>>) target_semaphore(%run_scoped3A : memref<!tpu.dma_semaphore, #tpu.memory_space<semaphore_mem>>)
        %dma_wait3A = arith.constant 0 : i32
        %dma_wait3A_70 = tpu.memref_slice %arg8[%mul3A_58, %dma_wait3A] : memref<100000x4xf32, #tpu.memory_space<hbm>> -> memref<5000x4xf32, #tpu.memory_space<hbm>>
        %dma_wait3A_71 = arith.constant 0 : i32
        %dma_wait3A_72 = tpu.memref_slice %arg8[%mul3A_58, %dma_wait3A_71] : memref<100000x4xf32, #tpu.memory_space<hbm>> -> memref<5000x4xf32, #tpu.memory_space<hbm>>
        tpu.wait_dma2 semaphore(%run_scoped3A : memref<!tpu.dma_semaphore, #tpu.memory_space<semaphore_mem>>) src(%dma_wait3A_72 : memref<5000x4xf32, #tpu.memory_space<hbm>>) dst(%arg22 : memref<5000x4xf32, #tpu.memory_space<vmem>>)
        tpu.yield
      }) : () -> ()
      %scan3A_59 = arith.constant 0 : i32
      %scan3A_60 = arith.constant 0 : i32
      %scan3A_61 = arith.constant 312 : i32
      %scan3A_62 = arith.addi %scan3A_60, %scan3A_61 : i32
      %scan3A_63 = arith.constant 1 : i32
      %scan3A_64 = scf.for %scan3A_67 = %scan3A_60 to %scan3A_62 step %scan3A_63 iter_args(%scan3A_68 = %scan3A_59) -> (i32)  : i32 {
        %mul3A_69 = arith.constant 16 : i32
        %mul3A_70 = arith.muli %scan3A_67, %mul3A_69 : i32
        %get3A = arith.index_cast %mul3A_70 : i32 to index
        %get3A_71 = tpu.vector_load %arg21[%get3A] {strides = array<i32>} : memref<5000xi32, #tpu.memory_space<vmem>>, vector<16xi32>,
        %ge3A = arith.constant 0 : i32
        %ge3A_72 = vector.broadcast %ge3A : i32 to vector<16xi32>
        %ge3A_73 = arith.cmpi sge, %get3A_71, %ge3A_72 : vector<16xi32>
        %and3A = arith.constant 262143 : i32
        %and3A_74 = vector.broadcast %and3A : i32 to vector<16xi32>
        %and3A_75 = arith.andi %get3A_71, %and3A_74 : vector<16xi32>
        %ge3A_76 = vector.broadcast %mul3A_2 : i32 to vector<16xi32>
        %ge3A_77 = arith.cmpi sge, %and3A_75, %ge3A_76 : vector<16xi32>
        %and3A_78 = arith.andi %ge3A_73, %ge3A_77 : vector<16xi1>
        %add3A_79 = arith.constant 6272 : i32
        %add3A_80 = arith.addi %mul3A_2, %add3A_79 : i32
        %lt3A = vector.broadcast %add3A_80 : i32 to vector<16xi32>
        %lt3A_81 = arith.cmpi slt, %and3A_75, %lt3A : vector<16xi32>
        %and3A_82 = arith.andi %and3A_78, %lt3A_81 : vector<16xi1>
        %and3A_83 = arith.constant 262144 : i32
        %and3A_84 = vector.broadcast %and3A_83 : i32 to vector<16xi32>
        %and3A_85 = arith.andi %get3A_71, %and3A_84 : vector<16xi32>
        %ne3A = arith.constant 0 : i32
        %ne3A_86 = vector.broadcast %ne3A : i32 to vector<16xi32>
        %ne3A_87 = arith.cmpi ne, %and3A_85, %ne3A_86 : vector<16xi32>
        %and3A_88 = arith.andi %and3A_82, %ne3A_87 : vector<16xi1>
        %not3A = arith.constant dense<true> : vector<16xi1>
        %not3A_89 = arith.xori %ne3A_87, %not3A : vector<16xi1>
        %and3A_90 = arith.andi %and3A_82, %not3A_89 : vector<16xi1>
        %sub3A = vector.broadcast %mul3A_2 : i32 to vector<16xi32>
        %sub3A_91 = arith.subi %and3A_75, %sub3A : vector<16xi32>
        %mul3A_92 = arith.constant 16 : i32
        %mul3A_93 = arith.muli %scan3A_67, %mul3A_92 : i32
        %add3A_94 = vector.broadcast %mul3A_93 : i32 to vector<16xi32>
        %add3A_95 = arith.addi %add3A_94, %iota3A : vector<16xi32>
        %gather3A = tpu.vector_load_idx %arg22[%add3A_95, %broadcast_in_dim3A_5] : memref<5000x4xf32, #tpu.memory_space<vmem>>[vector<16xi32>, vector<16xi32>], vector<16xf32>,
        %add3A_96 = arith.constant 1 : i32
        %add3A_97 = vector.broadcast %add3A_96 : i32 to vector<16xi32>
        %add3A_98 = arith.addi %broadcast_in_dim3A_5, %add3A_97 : vector<16xi32>
        %gather3A_99 = tpu.vector_load_idx %arg22[%add3A_95, %add3A_98] : memref<5000x4xf32, #tpu.memory_space<vmem>>[vector<16xi32>, vector<16xi32>], vector<16xf32>,
        %add3A_100 = arith.constant 2 : i32
        %add3A_101 = vector.broadcast %add3A_100 : i32 to vector<16xi32>
        %add3A_102 = arith.addi %broadcast_in_dim3A_5, %add3A_101 : vector<16xi32>
        %gather3A_103 = tpu.vector_load_idx %arg22[%add3A_95, %add3A_102] : memref<5000x4xf32, #tpu.memory_space<vmem>>[vector<16xi32>, vector<16xi32>], vector<16xf32>,
        tpu.vector_store_idx %arg15[%sub3A_91], %gather3A masked %and3A_88 : memref<6272xf32, #tpu.memory_space<vmem>>[vector<16xi32>], vector<16xf32>, vector<16xi1>
        tpu.vector_store_idx %arg16[%sub3A_91], %gather3A_99 masked %and3A_88 : memref<6272xf32, #tpu.memory_space<vmem>>[vector<16xi32>], vector<16xf32>, vector<16xi1>
        tpu.vector_store_idx %arg17[%sub3A_91], %gather3A_103 masked %and3A_88 : memref<6272xf32, #tpu.memory_space<vmem>>[vector<16xi32>], vector<16xf32>, vector<16xi1>
        tpu.vector_store_idx %arg18[%sub3A_91], %gather3A masked %and3A_90 : memref<6272xf32, #tpu.memory_space<vmem>>[vector<16xi32>], vector<16xf32>, vector<16xi1>
        tpu.vector_store_idx %arg19[%sub3A_91], %gather3A_99 masked %and3A_90 : memref<6272xf32, #tpu.memory_space<vmem>>[vector<16xi32>], vector<16xf32>, vector<16xi1>
        tpu.vector_store_idx %arg20[%sub3A_91], %gather3A_103 masked %and3A_90 : memref<6272xf32, #tpu.memory_space<vmem>>[vector<16xi32>], vector<16xf32>, vector<16xi1>
        %scan3A_104 = arith.constant 0 : i32
        scf.yield %scan3A_104 : i32
      }
      %scan3A_65 = arith.constant 312 : i32
      %scan3A_66 = arith.constant 0 : i32
      scf.yield %scan3A_66 : i32
    }
    %scan3A_32 = arith.constant 20 : i32
    %scan3A_33 = arith.constant 0 : i32
    %scan3A_34 = arith.constant 0 : i32
    %scan3A_35 = arith.constant 20 : i32
    %scan3A_36 = arith.addi %scan3A_34, %scan3A_35 : i32
    %scan3A_37 = arith.constant 1 : i32
    %scan3A_38 = scf.for %scan3A_53 = %scan3A_34 to %scan3A_36 step %scan3A_37 iter_args(%scan3A_54 = %scan3A_33) -> (i32)  : i32 {
      %mul3A_55 = arith.constant 5000 : i32
      %mul3A_56 = arith.muli %scan3A_53, %mul3A_55 : i32
      "tpu.region"() ({
        %run_scoped3A = tpu.sem_alloc : memref<!tpu.dma_semaphore, #tpu.memory_space<semaphore_mem>>
        %dma_start3A = tpu.memref_slice %arg5[%mul3A_56] : memref<100000xi32, #tpu.memory_space<hbm>> -> memref<5000xi32, #tpu.memory_space<hbm>>
        %dma_start3A_67 = tpu.memref_slice %arg5[%mul3A_56] : memref<100000xi32, #tpu.memory_space<hbm>> -> memref<5000xi32, #tpu.memory_space<hbm>>
        tpu.enqueue_dma source(%dma_start3A_67 : memref<5000xi32, #tpu.memory_space<hbm>>) target(%arg21 : memref<5000xi32, #tpu.memory_space<vmem>>) target_semaphore(%run_scoped3A : memref<!tpu.dma_semaphore, #tpu.memory_space<semaphore_mem>>)
        %dma_wait3A = tpu.memref_slice %arg5[%mul3A_56] : memref<100000xi32, #tpu.memory_space<hbm>> -> memref<5000xi32, #tpu.memory_space<hbm>>
        %dma_wait3A_68 = tpu.memref_slice %arg5[%mul3A_56] : memref<100000xi32, #tpu.memory_space<hbm>> -> memref<5000xi32, #tpu.memory_space<hbm>>
        tpu.wait_dma2 semaphore(%run_scoped3A : memref<!tpu.dma_semaphore, #tpu.memory_space<semaphore_mem>>) src(%dma_wait3A_68 : memref<5000xi32, #tpu.memory_space<hbm>>) dst(%arg21 : memref<5000xi32, #tpu.memory_space<vmem>>)
        tpu.yield
      }) : () -> ()
      %mul3A_57 = arith.constant 5000 : i32
      %mul3A_58 = arith.muli %scan3A_53, %mul3A_57 : i32
      "tpu.region"() ({
        %run_scoped3A = tpu.sem_alloc : memref<!tpu.dma_semaphore, #tpu.memory_space<semaphore_mem>>
        %dma_start3A = arith.constant 0 : i32
        %dma_start3A_67 = tpu.memref_slice %arg9[%mul3A_58, %dma_start3A] : memref<100000x4xf32, #tpu.memory_space<hbm>> -> memref<5000x4xf32, #tpu.memory_space<hbm>>
        %dma_start3A_68 = arith.constant 0 : i32
        %dma_start3A_69 = tpu.memref_slice %arg9[%mul3A_58, %dma_start3A_68] : memref<100000x4xf32, #tpu.memory_space<hbm>> -> memref<5000x4xf32, #tpu.memory_space<hbm>>
        tpu.enqueue_dma source(%dma_start3A_69 : memref<5000x4xf32, #tpu.memory_space<hbm>>) target(%arg22 : memref<5000x4xf32, #tpu.memory_space<vmem>>) target_semaphore(%run_scoped3A : memref<!tpu.dma_semaphore, #tpu.memory_space<semaphore_mem>>)
        %dma_wait3A = arith.constant 0 : i32
        %dma_wait3A_70 = tpu.memref_slice %arg9[%mul3A_58, %dma_wait3A] : memref<100000x4xf32, #tpu.memory_space<hbm>> -> memref<5000x4xf32, #tpu.memory_space<hbm>>
        %dma_wait3A_71 = arith.constant 0 : i32
        %dma_wait3A_72 = tpu.memref_slice %arg9[%mul3A_58, %dma_wait3A_71] : memref<100000x4xf32, #tpu.memory_space<hbm>> -> memref<5000x4xf32, #tpu.memory_space<hbm>>
        tpu.wait_dma2 semaphore(%run_scoped3A : memref<!tpu.dma_semaphore, #tpu.memory_space<semaphore_mem>>) src(%dma_wait3A_72 : memref<5000x4xf32, #tpu.memory_space<hbm>>) dst(%arg22 : memref<5000x4xf32, #tpu.memory_space<vmem>>)
        tpu.yield
      }) : () -> ()
      %scan3A_59 = arith.constant 0 : i32
      %scan3A_60 = arith.constant 0 : i32
      %scan3A_61 = arith.constant 312 : i32
      %scan3A_62 = arith.addi %scan3A_60, %scan3A_61 : i32
      %scan3A_63 = arith.constant 1 : i32
      %scan3A_64 = scf.for %scan3A_67 = %scan3A_60 to %scan3A_62 step %scan3A_63 iter_args(%scan3A_68 = %scan3A_59) -> (i32)  : i32 {
        %mul3A_69 = arith.constant 16 : i32
        %mul3A_70 = arith.muli %scan3A_67, %mul3A_69 : i32
        %get3A = arith.index_cast %mul3A_70 : i32 to index
        %get3A_71 = tpu.vector_load %arg21[%get3A] {strides = array<i32>} : memref<5000xi32, #tpu.memory_space<vmem>>, vector<16xi32>,
        %ge3A = arith.constant 0 : i32
        %ge3A_72 = vector.broadcast %ge3A : i32 to vector<16xi32>
        %ge3A_73 = arith.cmpi sge, %get3A_71, %ge3A_72 : vector<16xi32>
        %and3A = arith.constant 262143 : i32
        %and3A_74 = vector.broadcast %and3A : i32 to vector<16xi32>
        %and3A_75 = arith.andi %get3A_71, %and3A_74 : vector<16xi32>
        %ge3A_76 = vector.broadcast %mul3A_2 : i32 to vector<16xi32>
        %ge3A_77 = arith.cmpi sge, %and3A_75, %ge3A_76 : vector<16xi32>
        %and3A_78 = arith.andi %ge3A_73, %ge3A_77 : vector<16xi1>
        %add3A_79 = arith.constant 6272 : i32
        %add3A_80 = arith.addi %mul3A_2, %add3A_79 : i32
        %lt3A = vector.broadcast %add3A_80 : i32 to vector<16xi32>
        %lt3A_81 = arith.cmpi slt, %and3A_75, %lt3A : vector<16xi32>
        %and3A_82 = arith.andi %and3A_78, %lt3A_81 : vector<16xi1>
        %and3A_83 = arith.constant 262144 : i32
        %and3A_84 = vector.broadcast %and3A_83 : i32 to vector<16xi32>
        %and3A_85 = arith.andi %get3A_71, %and3A_84 : vector<16xi32>
        %ne3A = arith.constant 0 : i32
        %ne3A_86 = vector.broadcast %ne3A : i32 to vector<16xi32>
        %ne3A_87 = arith.cmpi ne, %and3A_85, %ne3A_86 : vector<16xi32>
        %and3A_88 = arith.andi %and3A_82, %ne3A_87 : vector<16xi1>
        %not3A = arith.constant dense<true> : vector<16xi1>
        %not3A_89 = arith.xori %ne3A_87, %not3A : vector<16xi1>
        %and3A_90 = arith.andi %and3A_82, %not3A_89 : vector<16xi1>
        %sub3A = vector.broadcast %mul3A_2 : i32 to vector<16xi32>
        %sub3A_91 = arith.subi %and3A_75, %sub3A : vector<16xi32>
        %mul3A_92 = arith.constant 16 : i32
        %mul3A_93 = arith.muli %scan3A_67, %mul3A_92 : i32
        %add3A_94 = vector.broadcast %mul3A_93 : i32 to vector<16xi32>
        %add3A_95 = arith.addi %add3A_94, %iota3A : vector<16xi32>
        %gather3A = tpu.vector_load_idx %arg22[%add3A_95, %broadcast_in_dim3A_5] : memref<5000x4xf32, #tpu.memory_space<vmem>>[vector<16xi32>, vector<16xi32>], vector<16xf32>,
        %add3A_96 = arith.constant 1 : i32
        %add3A_97 = vector.broadcast %add3A_96 : i32 to vector<16xi32>
        %add3A_98 = arith.addi %broadcast_in_dim3A_5, %add3A_97 : vector<16xi32>
        %gather3A_99 = tpu.vector_load_idx %arg22[%add3A_95, %add3A_98] : memref<5000x4xf32, #tpu.memory_space<vmem>>[vector<16xi32>, vector<16xi32>], vector<16xf32>,
        %add3A_100 = arith.constant 2 : i32
        %add3A_101 = vector.broadcast %add3A_100 : i32 to vector<16xi32>
        %add3A_102 = arith.addi %broadcast_in_dim3A_5, %add3A_101 : vector<16xi32>
        %gather3A_103 = tpu.vector_load_idx %arg22[%add3A_95, %add3A_102] : memref<5000x4xf32, #tpu.memory_space<vmem>>[vector<16xi32>, vector<16xi32>], vector<16xf32>,
        tpu.vector_store_idx %arg15[%sub3A_91], %gather3A masked %and3A_88 : memref<6272xf32, #tpu.memory_space<vmem>>[vector<16xi32>], vector<16xf32>, vector<16xi1>
        tpu.vector_store_idx %arg16[%sub3A_91], %gather3A_99 masked %and3A_88 : memref<6272xf32, #tpu.memory_space<vmem>>[vector<16xi32>], vector<16xf32>, vector<16xi1>
        tpu.vector_store_idx %arg17[%sub3A_91], %gather3A_103 masked %and3A_88 : memref<6272xf32, #tpu.memory_space<vmem>>[vector<16xi32>], vector<16xf32>, vector<16xi1>
        tpu.vector_store_idx %arg18[%sub3A_91], %gather3A masked %and3A_90 : memref<6272xf32, #tpu.memory_space<vmem>>[vector<16xi32>], vector<16xf32>, vector<16xi1>
        tpu.vector_store_idx %arg19[%sub3A_91], %gather3A_99 masked %and3A_90 : memref<6272xf32, #tpu.memory_space<vmem>>[vector<16xi32>], vector<16xf32>, vector<16xi1>
        tpu.vector_store_idx %arg20[%sub3A_91], %gather3A_103 masked %and3A_90 : memref<6272xf32, #tpu.memory_space<vmem>>[vector<16xi32>], vector<16xf32>, vector<16xi1>
        %scan3A_104 = arith.constant 0 : i32
        scf.yield %scan3A_104 : i32
      }
      %scan3A_65 = arith.constant 312 : i32
      %scan3A_66 = arith.constant 0 : i32
      scf.yield %scan3A_66 : i32
    }
    %scan3A_39 = arith.constant 20 : i32
    %scan3A_40 = arith.constant 0 : i32
    %scan3A_41 = arith.constant 7 : i32
    %scan3A_42 = arith.addi %scan3A_40, %scan3A_41 : i32
    %scan3A_43 = arith.constant 1 : i32
    %scan3A_44:3 = scf.for %scan3A_53 = %scan3A_40 to %scan3A_42 step %scan3A_43 iter_args(%scan3A_54 = %broadcast_in_dim3A_3, %scan3A_55 = %broadcast_in_dim3A_3, %scan3A_56 = %broadcast_in_dim3A_3) -> (vector<16xf32>, vector<16xf32>, vector<16xf32>)  : i32 {
      %mul3A_57 = arith.constant 896 : i32
      %mul3A_58 = arith.muli %scan3A_53, %mul3A_57 : i32
      %add3A_59 = arith.addi %mul3A_2, %mul3A_58 : i32
      "tpu.region"() ({
        %run_scoped3A = tpu.sem_alloc : memref<!tpu.dma_semaphore, #tpu.memory_space<semaphore_mem>>
        %dma_start3A_288 = arith.constant 0 : i32
        %dma_start3A_289 = tpu.memref_slice %arg11[%add3A_59, %dma_start3A_288] : memref<200704x8xf32, #tpu.memory_space<hbm>> -> memref<896x8xf32, #tpu.memory_space<hbm>>
        %dma_start3A_290 = arith.constant 0 : i32
        %dma_start3A_291 = tpu.memref_slice %arg11[%add3A_59, %dma_start3A_290] : memref<200704x8xf32, #tpu.memory_space<hbm>> -> memref<896x8xf32, #tpu.memory_space<hbm>>
        tpu.enqueue_dma source(%dma_start3A_291 : memref<896x8xf32, #tpu.memory_space<hbm>>) target(%arg27 : memref<896x8xf32, #tpu.memory_space<vmem>>) target_semaphore(%run_scoped3A : memref<!tpu.dma_semaphore, #tpu.memory_space<semaphore_mem>>)
        %dma_wait3A_292 = arith.constant 0 : i32
        %dma_wait3A_293 = tpu.memref_slice %arg11[%add3A_59, %dma_wait3A_292] : memref<200704x8xf32, #tpu.memory_space<hbm>> -> memref<896x8xf32, #tpu.memory_space<hbm>>
        %dma_wait3A_294 = arith.constant 0 : i32
        %dma_wait3A_295 = tpu.memref_slice %arg11[%add3A_59, %dma_wait3A_294] : memref<200704x8xf32, #tpu.memory_space<hbm>> -> memref<896x8xf32, #tpu.memory_space<hbm>>
        tpu.wait_dma2 semaphore(%run_scoped3A : memref<!tpu.dma_semaphore, #tpu.memory_space<semaphore_mem>>) src(%dma_wait3A_295 : memref<896x8xf32, #tpu.memory_space<hbm>>) dst(%arg27 : memref<896x8xf32, #tpu.memory_space<vmem>>)
        tpu.yield
      }) : () -> ()
      "tpu.region"() ({
        %run_scoped3A = tpu.sem_alloc : memref<!tpu.dma_semaphore, #tpu.memory_space<semaphore_mem>>
        %dma_start3A_288 = tpu.memref_slice %arg12[%add3A_59] : memref<200704xi32, #tpu.memory_space<hbm>> -> memref<896xi32, #tpu.memory_space<hbm>>
        %dma_start3A_289 = tpu.memref_slice %arg12[%add3A_59] : memref<200704xi32, #tpu.memory_space<hbm>> -> memref<896xi32, #tpu.memory_space<hbm>>
        tpu.enqueue_dma source(%dma_start3A_289 : memref<896xi32, #tpu.memory_space<hbm>>) target(%arg23 : memref<896xi32, #tpu.memory_space<vmem>>) target_semaphore(%run_scoped3A : memref<!tpu.dma_semaphore, #tpu.memory_space<semaphore_mem>>)
        %dma_wait3A_290 = tpu.memref_slice %arg12[%add3A_59] : memref<200704xi32, #tpu.memory_space<hbm>> -> memref<896xi32, #tpu.memory_space<hbm>>
        %dma_wait3A_291 = tpu.memref_slice %arg12[%add3A_59] : memref<200704xi32, #tpu.memory_space<hbm>> -> memref<896xi32, #tpu.memory_space<hbm>>
        tpu.wait_dma2 semaphore(%run_scoped3A : memref<!tpu.dma_semaphore, #tpu.memory_space<semaphore_mem>>) src(%dma_wait3A_291 : memref<896xi32, #tpu.memory_space<hbm>>) dst(%arg23 : memref<896xi32, #tpu.memory_space<vmem>>)
        tpu.yield
      }) : () -> ()
      "tpu.region"() ({
        %run_scoped3A = tpu.sem_alloc : memref<!tpu.dma_semaphore, #tpu.memory_space<semaphore_mem>>
        %dma_start3A_288 = tpu.memref_slice %arg13[%add3A_59] : memref<200704xi32, #tpu.memory_space<hbm>> -> memref<896xi32, #tpu.memory_space<hbm>>
        %dma_start3A_289 = tpu.memref_slice %arg13[%add3A_59] : memref<200704xi32, #tpu.memory_space<hbm>> -> memref<896xi32, #tpu.memory_space<hbm>>
        tpu.enqueue_dma source(%dma_start3A_289 : memref<896xi32, #tpu.memory_space<hbm>>) target(%arg24 : memref<896xi32, #tpu.memory_space<vmem>>) target_semaphore(%run_scoped3A : memref<!tpu.dma_semaphore, #tpu.memory_space<semaphore_mem>>)
        %dma_wait3A_290 = tpu.memref_slice %arg13[%add3A_59] : memref<200704xi32, #tpu.memory_space<hbm>> -> memref<896xi32, #tpu.memory_space<hbm>>
        %dma_wait3A_291 = tpu.memref_slice %arg13[%add3A_59] : memref<200704xi32, #tpu.memory_space<hbm>> -> memref<896xi32, #tpu.memory_space<hbm>>
        tpu.wait_dma2 semaphore(%run_scoped3A : memref<!tpu.dma_semaphore, #tpu.memory_space<semaphore_mem>>) src(%dma_wait3A_291 : memref<896xi32, #tpu.memory_space<hbm>>) dst(%arg24 : memref<896xi32, #tpu.memory_space<vmem>>)
        tpu.yield
      }) : () -> ()
      %dma_start3A = arith.constant 0 : i32
      %dma_start3A_60 = arith.constant 0 : i32
      %dma_start3A_61 = tpu.memref_slice %arg25[%dma_start3A, %dma_start3A_60] : memref<896x8xf32, #tpu.memory_space<vmem>> -> memref<128x8xf32, #tpu.memory_space<vmem>>
      %dma_start3A_62 = arith.constant 0 : i32
      %dma_start3A_63 = tpu.memref_slice %arg23[%dma_start3A_62] : memref<896xi32, #tpu.memory_space<vmem>> -> memref<128xi32, #tpu.memory_space<vmem>>
      %dma_start3A_64 = arith.constant 0 : i32
      %dma_start3A_65 = arith.constant 0 : i32
      %dma_start3A_66 = tpu.memref_slice %arg10[%dma_start3A_64, %dma_start3A_65] : memref<100000x8xf32, #tpu.memory_space<hbm>> -> memref<100000x8xf32, #tpu.memory_space<hbm>>
      tpu.enqueue_indirect_dma source(%dma_start3A_66 : memref<100000x8xf32, #tpu.memory_space<hbm>>) target(%dma_start3A_61 : memref<128x8xf32, #tpu.memory_space<vmem>>) offsets(%dma_start3A_63 : memref<128xi32, #tpu.memory_space<vmem>>) semaphore(%arg29 : memref<!tpu.dma_semaphore, #tpu.memory_space<semaphore_mem>>)
      %dma_start3A_67 = arith.constant 0 : i32
      %dma_start3A_68 = arith.constant 0 : i32
      %dma_start3A_69 = tpu.memref_slice %arg26[%dma_start3A_67, %dma_start3A_68] : memref<896x8xf32, #tpu.memory_space<vmem>> -> memref<128x8xf32, #tpu.memory_space<vmem>>
      %dma_start3A_70 = arith.constant 0 : i32
      %dma_start3A_71 = tpu.memref_slice %arg24[%dma_start3A_70] : memref<896xi32, #tpu.memory_space<vmem>> -> memref<128xi32, #tpu.memory_space<vmem>>
      %dma_start3A_72 = arith.constant 0 : i32
      %dma_start3A_73 = arith.constant 0 : i32
      %dma_start3A_74 = tpu.memref_slice %arg10[%dma_start3A_72, %dma_start3A_73] : memref<100000x8xf32, #tpu.memory_space<hbm>> -> memref<100000x8xf32, #tpu.memory_space<hbm>>
      tpu.enqueue_indirect_dma source(%dma_start3A_74 : memref<100000x8xf32, #tpu.memory_space<hbm>>) target(%dma_start3A_69 : memref<128x8xf32, #tpu.memory_space<vmem>>) offsets(%dma_start3A_71 : memref<128xi32, #tpu.memory_space<vmem>>) semaphore(%arg29 : memref<!tpu.dma_semaphore, #tpu.memory_space<semaphore_mem>>)
      %dma_start3A_75 = arith.constant 128 : i32
      %dma_start3A_76 = arith.constant 0 : i32
      %dma_start3A_77 = tpu.memref_slice %arg25[%dma_start3A_75, %dma_start3A_76] : memref<896x8xf32, #tpu.memory_space<vmem>> -> memref<128x8xf32, #tpu.memory_space<vmem>>
      %dma_start3A_78 = arith.constant 128 : i32
      %dma_start3A_79 = tpu.memref_slice %arg23[%dma_start3A_78] : memref<896xi32, #tpu.memory_space<vmem>> -> memref<128xi32, #tpu.memory_space<vmem>>
      %dma_start3A_80 = arith.constant 0 : i32
      %dma_start3A_81 = arith.constant 0 : i32
      %dma_start3A_82 = tpu.memref_slice %arg10[%dma_start3A_80, %dma_start3A_81] : memref<100000x8xf32, #tpu.memory_space<hbm>> -> memref<100000x8xf32, #tpu.memory_space<hbm>>
      tpu.enqueue_indirect_dma source(%dma_start3A_82 : memref<100000x8xf32, #tpu.memory_space<hbm>>) target(%dma_start3A_77 : memref<128x8xf32, #tpu.memory_space<vmem>>) offsets(%dma_start3A_79 : memref<128xi32, #tpu.memory_space<vmem>>) semaphore(%arg29 : memref<!tpu.dma_semaphore, #tpu.memory_space<semaphore_mem>>)
      %dma_start3A_83 = arith.constant 128 : i32
      %dma_start3A_84 = arith.constant 0 : i32
      %dma_start3A_85 = tpu.memref_slice %arg26[%dma_start3A_83, %dma_start3A_84] : memref<896x8xf32, #tpu.memory_space<vmem>> -> memref<128x8xf32, #tpu.memory_space<vmem>>
      %dma_start3A_86 = arith.constant 128 : i32
      %dma_start3A_87 = tpu.memref_slice %arg24[%dma_start3A_86] : memref<896xi32, #tpu.memory_space<vmem>> -> memref<128xi32, #tpu.memory_space<vmem>>
      %dma_start3A_88 = arith.constant 0 : i32
      %dma_start3A_89 = arith.constant 0 : i32
      %dma_start3A_90 = tpu.memref_slice %arg10[%dma_start3A_88, %dma_start3A_89] : memref<100000x8xf32, #tpu.memory_space<hbm>> -> memref<100000x8xf32, #tpu.memory_space<hbm>>
      tpu.enqueue_indirect_dma source(%dma_start3A_90 : memref<100000x8xf32, #tpu.memory_space<hbm>>) target(%dma_start3A_85 : memref<128x8xf32, #tpu.memory_space<vmem>>) offsets(%dma_start3A_87 : memref<128xi32, #tpu.memory_space<vmem>>) semaphore(%arg29 : memref<!tpu.dma_semaphore, #tpu.memory_space<semaphore_mem>>)
      %dma_start3A_91 = arith.constant 256 : i32
      %dma_start3A_92 = arith.constant 0 : i32
      %dma_start3A_93 = tpu.memref_slice %arg25[%dma_start3A_91, %dma_start3A_92] : memref<896x8xf32, #tpu.memory_space<vmem>> -> memref<128x8xf32, #tpu.memory_space<vmem>>
      %dma_start3A_94 = arith.constant 256 : i32
      %dma_start3A_95 = tpu.memref_slice %arg23[%dma_start3A_94] : memref<896xi32, #tpu.memory_space<vmem>> -> memref<128xi32, #tpu.memory_space<vmem>>
      %dma_start3A_96 = arith.constant 0 : i32
      %dma_start3A_97 = arith.constant 0 : i32
      %dma_start3A_98 = tpu.memref_slice %arg10[%dma_start3A_96, %dma_start3A_97] : memref<100000x8xf32, #tpu.memory_space<hbm>> -> memref<100000x8xf32, #tpu.memory_space<hbm>>
      tpu.enqueue_indirect_dma source(%dma_start3A_98 : memref<100000x8xf32, #tpu.memory_space<hbm>>) target(%dma_start3A_93 : memref<128x8xf32, #tpu.memory_space<vmem>>) offsets(%dma_start3A_95 : memref<128xi32, #tpu.memory_space<vmem>>) semaphore(%arg29 : memref<!tpu.dma_semaphore, #tpu.memory_space<semaphore_mem>>)
      %dma_start3A_99 = arith.constant 256 : i32
      %dma_start3A_100 = arith.constant 0 : i32
      %dma_start3A_101 = tpu.memref_slice %arg26[%dma_start3A_99, %dma_start3A_100] : memref<896x8xf32, #tpu.memory_space<vmem>> -> memref<128x8xf32, #tpu.memory_space<vmem>>
      %dma_start3A_102 = arith.constant 256 : i32
      %dma_start3A_103 = tpu.memref_slice %arg24[%dma_start3A_102] : memref<896xi32, #tpu.memory_space<vmem>> -> memref<128xi32, #tpu.memory_space<vmem>>
      %dma_start3A_104 = arith.constant 0 : i32
      %dma_start3A_105 = arith.constant 0 : i32
      %dma_start3A_106 = tpu.memref_slice %arg10[%dma_start3A_104, %dma_start3A_105] : memref<100000x8xf32, #tpu.memory_space<hbm>> -> memref<100000x8xf32, #tpu.memory_space<hbm>>
      tpu.enqueue_indirect_dma source(%dma_start3A_106 : memref<100000x8xf32, #tpu.memory_space<hbm>>) target(%dma_start3A_101 : memref<128x8xf32, #tpu.memory_space<vmem>>) offsets(%dma_start3A_103 : memref<128xi32, #tpu.memory_space<vmem>>) semaphore(%arg29 : memref<!tpu.dma_semaphore, #tpu.memory_space<semaphore_mem>>)
      %dma_start3A_107 = arith.constant 384 : i32
      %dma_start3A_108 = arith.constant 0 : i32
      %dma_start3A_109 = tpu.memref_slice %arg25[%dma_start3A_107, %dma_start3A_108] : memref<896x8xf32, #tpu.memory_space<vmem>> -> memref<128x8xf32, #tpu.memory_space<vmem>>
      %dma_start3A_110 = arith.constant 384 : i32
      %dma_start3A_111 = tpu.memref_slice %arg23[%dma_start3A_110] : memref<896xi32, #tpu.memory_space<vmem>> -> memref<128xi32, #tpu.memory_space<vmem>>
      %dma_start3A_112 = arith.constant 0 : i32
      %dma_start3A_113 = arith.constant 0 : i32
      %dma_start3A_114 = tpu.memref_slice %arg10[%dma_start3A_112, %dma_start3A_113] : memref<100000x8xf32, #tpu.memory_space<hbm>> -> memref<100000x8xf32, #tpu.memory_space<hbm>>
      tpu.enqueue_indirect_dma source(%dma_start3A_114 : memref<100000x8xf32, #tpu.memory_space<hbm>>) target(%dma_start3A_109 : memref<128x8xf32, #tpu.memory_space<vmem>>) offsets(%dma_start3A_111 : memref<128xi32, #tpu.memory_space<vmem>>) semaphore(%arg29 : memref<!tpu.dma_semaphore, #tpu.memory_space<semaphore_mem>>)
      %dma_start3A_115 = arith.constant 384 : i32
      %dma_start3A_116 = arith.constant 0 : i32
      %dma_start3A_117 = tpu.memref_slice %arg26[%dma_start3A_115, %dma_start3A_116] : memref<896x8xf32, #tpu.memory_space<vmem>> -> memref<128x8xf32, #tpu.memory_space<vmem>>
      %dma_start3A_118 = arith.constant 384 : i32
      %dma_start3A_119 = tpu.memref_slice %arg24[%dma_start3A_118] : memref<896xi32, #tpu.memory_space<vmem>> -> memref<128xi32, #tpu.memory_space<vmem>>
      %dma_start3A_120 = arith.constant 0 : i32
      %dma_start3A_121 = arith.constant 0 : i32
      %dma_start3A_122 = tpu.memref_slice %arg10[%dma_start3A_120, %dma_start3A_121] : memref<100000x8xf32, #tpu.memory_space<hbm>> -> memref<100000x8xf32, #tpu.memory_space<hbm>>
      tpu.enqueue_indirect_dma source(%dma_start3A_122 : memref<100000x8xf32, #tpu.memory_space<hbm>>) target(%dma_start3A_117 : memref<128x8xf32, #tpu.memory_space<vmem>>) offsets(%dma_start3A_119 : memref<128xi32, #tpu.memory_space<vmem>>) semaphore(%arg29 : memref<!tpu.dma_semaphore, #tpu.memory_space<semaphore_mem>>)
      %dma_start3A_123 = arith.constant 512 : i32
      %dma_start3A_124 = arith.constant 0 : i32
      %dma_start3A_125 = tpu.memref_slice %arg25[%dma_start3A_123, %dma_start3A_124] : memref<896x8xf32, #tpu.memory_space<vmem>> -> memref<128x8xf32, #tpu.memory_space<vmem>>
      %dma_start3A_126 = arith.constant 512 : i32
      %dma_start3A_127 = tpu.memref_slice %arg23[%dma_start3A_126] : memref<896xi32, #tpu.memory_space<vmem>> -> memref<128xi32, #tpu.memory_space<vmem>>
      %dma_start3A_128 = arith.constant 0 : i32
      %dma_start3A_129 = arith.constant 0 : i32
      %dma_start3A_130 = tpu.memref_slice %arg10[%dma_start3A_128, %dma_start3A_129] : memref<100000x8xf32, #tpu.memory_space<hbm>> -> memref<100000x8xf32, #tpu.memory_space<hbm>>
      tpu.enqueue_indirect_dma source(%dma_start3A_130 : memref<100000x8xf32, #tpu.memory_space<hbm>>) target(%dma_start3A_125 : memref<128x8xf32, #tpu.memory_space<vmem>>) offsets(%dma_start3A_127 : memref<128xi32, #tpu.memory_space<vmem>>) semaphore(%arg29 : memref<!tpu.dma_semaphore, #tpu.memory_space<semaphore_mem>>)
      %dma_start3A_131 = arith.constant 512 : i32
      %dma_start3A_132 = arith.constant 0 : i32
      %dma_start3A_133 = tpu.memref_slice %arg26[%dma_start3A_131, %dma_start3A_132] : memref<896x8xf32, #tpu.memory_space<vmem>> -> memref<128x8xf32, #tpu.memory_space<vmem>>
      %dma_start3A_134 = arith.constant 512 : i32
      %dma_start3A_135 = tpu.memref_slice %arg24[%dma_start3A_134] : memref<896xi32, #tpu.memory_space<vmem>> -> memref<128xi32, #tpu.memory_space<vmem>>
      %dma_start3A_136 = arith.constant 0 : i32
      %dma_start3A_137 = arith.constant 0 : i32
      %dma_start3A_138 = tpu.memref_slice %arg10[%dma_start3A_136, %dma_start3A_137] : memref<100000x8xf32, #tpu.memory_space<hbm>> -> memref<100000x8xf32, #tpu.memory_space<hbm>>
      tpu.enqueue_indirect_dma source(%dma_start3A_138 : memref<100000x8xf32, #tpu.memory_space<hbm>>) target(%dma_start3A_133 : memref<128x8xf32, #tpu.memory_space<vmem>>) offsets(%dma_start3A_135 : memref<128xi32, #tpu.memory_space<vmem>>) semaphore(%arg29 : memref<!tpu.dma_semaphore, #tpu.memory_space<semaphore_mem>>)
      %dma_start3A_139 = arith.constant 640 : i32
      %dma_start3A_140 = arith.constant 0 : i32
      %dma_start3A_141 = tpu.memref_slice %arg25[%dma_start3A_139, %dma_start3A_140] : memref<896x8xf32, #tpu.memory_space<vmem>> -> memref<128x8xf32, #tpu.memory_space<vmem>>
      %dma_start3A_142 = arith.constant 640 : i32
      %dma_start3A_143 = tpu.memref_slice %arg23[%dma_start3A_142] : memref<896xi32, #tpu.memory_space<vmem>> -> memref<128xi32, #tpu.memory_space<vmem>>
      %dma_start3A_144 = arith.constant 0 : i32
      %dma_start3A_145 = arith.constant 0 : i32
      %dma_start3A_146 = tpu.memref_slice %arg10[%dma_start3A_144, %dma_start3A_145] : memref<100000x8xf32, #tpu.memory_space<hbm>> -> memref<100000x8xf32, #tpu.memory_space<hbm>>
      tpu.enqueue_indirect_dma source(%dma_start3A_146 : memref<100000x8xf32, #tpu.memory_space<hbm>>) target(%dma_start3A_141 : memref<128x8xf32, #tpu.memory_space<vmem>>) offsets(%dma_start3A_143 : memref<128xi32, #tpu.memory_space<vmem>>) semaphore(%arg29 : memref<!tpu.dma_semaphore, #tpu.memory_space<semaphore_mem>>)
      %dma_start3A_147 = arith.constant 640 : i32
      %dma_start3A_148 = arith.constant 0 : i32
      %dma_start3A_149 = tpu.memref_slice %arg26[%dma_start3A_147, %dma_start3A_148] : memref<896x8xf32, #tpu.memory_space<vmem>> -> memref<128x8xf32, #tpu.memory_space<vmem>>
      %dma_start3A_150 = arith.constant 640 : i32
      %dma_start3A_151 = tpu.memref_slice %arg24[%dma_start3A_150] : memref<896xi32, #tpu.memory_space<vmem>> -> memref<128xi32, #tpu.memory_space<vmem>>
      %dma_start3A_152 = arith.constant 0 : i32
      %dma_start3A_153 = arith.constant 0 : i32
      %dma_start3A_154 = tpu.memref_slice %arg10[%dma_start3A_152, %dma_start3A_153] : memref<100000x8xf32, #tpu.memory_space<hbm>> -> memref<100000x8xf32, #tpu.memory_space<hbm>>
      tpu.enqueue_indirect_dma source(%dma_start3A_154 : memref<100000x8xf32, #tpu.memory_space<hbm>>) target(%dma_start3A_149 : memref<128x8xf32, #tpu.memory_space<vmem>>) offsets(%dma_start3A_151 : memref<128xi32, #tpu.memory_space<vmem>>) semaphore(%arg29 : memref<!tpu.dma_semaphore, #tpu.memory_space<semaphore_mem>>)
      %dma_start3A_155 = arith.constant 768 : i32
      %dma_start3A_156 = arith.constant 0 : i32
      %dma_start3A_157 = tpu.memref_slice %arg25[%dma_start3A_155, %dma_start3A_156] : memref<896x8xf32, #tpu.memory_space<vmem>> -> memref<128x8xf32, #tpu.memory_space<vmem>>
      %dma_start3A_158 = arith.constant 768 : i32
      %dma_start3A_159 = tpu.memref_slice %arg23[%dma_start3A_158] : memref<896xi32, #tpu.memory_space<vmem>> -> memref<128xi32, #tpu.memory_space<vmem>>
      %dma_start3A_160 = arith.constant 0 : i32
      %dma_start3A_161 = arith.constant 0 : i32
      %dma_start3A_162 = tpu.memref_slice %arg10[%dma_start3A_160, %dma_start3A_161] : memref<100000x8xf32, #tpu.memory_space<hbm>> -> memref<100000x8xf32, #tpu.memory_space<hbm>>
      tpu.enqueue_indirect_dma source(%dma_start3A_162 : memref<100000x8xf32, #tpu.memory_space<hbm>>) target(%dma_start3A_157 : memref<128x8xf32, #tpu.memory_space<vmem>>) offsets(%dma_start3A_159 : memref<128xi32, #tpu.memory_space<vmem>>) semaphore(%arg29 : memref<!tpu.dma_semaphore, #tpu.memory_space<semaphore_mem>>)
      %dma_start3A_163 = arith.constant 768 : i32
      %dma_start3A_164 = arith.constant 0 : i32
      %dma_start3A_165 = tpu.memref_slice %arg26[%dma_start3A_163, %dma_start3A_164] : memref<896x8xf32, #tpu.memory_space<vmem>> -> memref<128x8xf32, #tpu.memory_space<vmem>>
      %dma_start3A_166 = arith.constant 768 : i32
      %dma_start3A_167 = tpu.memref_slice %arg24[%dma_start3A_166] : memref<896xi32, #tpu.memory_space<vmem>> -> memref<128xi32, #tpu.memory_space<vmem>>
      %dma_start3A_168 = arith.constant 0 : i32
      %dma_start3A_169 = arith.constant 0 : i32
      %dma_start3A_170 = tpu.memref_slice %arg10[%dma_start3A_168, %dma_start3A_169] : memref<100000x8xf32, #tpu.memory_space<hbm>> -> memref<100000x8xf32, #tpu.memory_space<hbm>>
      tpu.enqueue_indirect_dma source(%dma_start3A_170 : memref<100000x8xf32, #tpu.memory_space<hbm>>) target(%dma_start3A_165 : memref<128x8xf32, #tpu.memory_space<vmem>>) offsets(%dma_start3A_167 : memref<128xi32, #tpu.memory_space<vmem>>) semaphore(%arg29 : memref<!tpu.dma_semaphore, #tpu.memory_space<semaphore_mem>>)
      %dma_wait3A = arith.constant 0 : i32
      %dma_wait3A_171 = arith.constant 0 : i32
      %dma_wait3A_172 = tpu.memref_slice %arg25[%dma_wait3A, %dma_wait3A_171] : memref<896x8xf32, #tpu.memory_space<vmem>> -> memref<128x8xf32, #tpu.memory_space<vmem>>
      %dma_wait3A_173 = arith.constant 0 : i32
      %dma_wait3A_174 = tpu.memref_slice %arg23[%dma_wait3A_173] : memref<896xi32, #tpu.memory_space<vmem>> -> memref<128xi32, #tpu.memory_space<vmem>>
      %dma_wait3A_175 = arith.constant 0 : i32
      %dma_wait3A_176 = arith.constant 0 : i32
      %dma_wait3A_177 = tpu.memref_slice %arg10[%dma_wait3A_175, %dma_wait3A_176] : memref<100000x8xf32, #tpu.memory_space<hbm>> -> memref<100000x8xf32, #tpu.memory_space<hbm>>
      tpu.wait_indirect_dma semaphore(%arg29 : memref<!tpu.dma_semaphore, #tpu.memory_space<semaphore_mem>>) src(%dma_wait3A_177 : memref<100000x8xf32, #tpu.memory_space<hbm>>) dst(%dma_wait3A_172 : memref<128x8xf32, #tpu.memory_space<vmem>>)
      %dma_wait3A_178 = arith.constant 0 : i32
      %dma_wait3A_179 = arith.constant 0 : i32
      %dma_wait3A_180 = tpu.memref_slice %arg26[%dma_wait3A_178, %dma_wait3A_179] : memref<896x8xf32, #tpu.memory_space<vmem>> -> memref<128x8xf32, #tpu.memory_space<vmem>>
      %dma_wait3A_181 = arith.constant 0 : i32
      %dma_wait3A_182 = tpu.memref_slice %arg24[%dma_wait3A_181] : memref<896xi32, #tpu.memory_space<vmem>> -> memref<128xi32, #tpu.memory_space<vmem>>
      %dma_wait3A_183 = arith.constant 0 : i32
      %dma_wait3A_184 = arith.constant 0 : i32
      %dma_wait3A_185 = tpu.memref_slice %arg10[%dma_wait3A_183, %dma_wait3A_184] : memref<100000x8xf32, #tpu.memory_space<hbm>> -> memref<100000x8xf32, #tpu.memory_space<hbm>>
      tpu.wait_indirect_dma semaphore(%arg29 : memref<!tpu.dma_semaphore, #tpu.memory_space<semaphore_mem>>) src(%dma_wait3A_185 : memref<100000x8xf32, #tpu.memory_space<hbm>>) dst(%dma_wait3A_180 : memref<128x8xf32, #tpu.memory_space<vmem>>)
      %dma_wait3A_186 = arith.constant 128 : i32
      %dma_wait3A_187 = arith.constant 0 : i32
      %dma_wait3A_188 = tpu.memref_slice %arg25[%dma_wait3A_186, %dma_wait3A_187] : memref<896x8xf32, #tpu.memory_space<vmem>> -> memref<128x8xf32, #tpu.memory_space<vmem>>
      %dma_wait3A_189 = arith.constant 128 : i32
      %dma_wait3A_190 = tpu.memref_slice %arg23[%dma_wait3A_189] : memref<896xi32, #tpu.memory_space<vmem>> -> memref<128xi32, #tpu.memory_space<vmem>>
      %dma_wait3A_191 = arith.constant 0 : i32
      %dma_wait3A_192 = arith.constant 0 : i32
      %dma_wait3A_193 = tpu.memref_slice %arg10[%dma_wait3A_191, %dma_wait3A_192] : memref<100000x8xf32, #tpu.memory_space<hbm>> -> memref<100000x8xf32, #tpu.memory_space<hbm>>
      tpu.wait_indirect_dma semaphore(%arg29 : memref<!tpu.dma_semaphore, #tpu.memory_space<semaphore_mem>>) src(%dma_wait3A_193 : memref<100000x8xf32, #tpu.memory_space<hbm>>) dst(%dma_wait3A_188 : memref<128x8xf32, #tpu.memory_space<vmem>>)
      %dma_wait3A_194 = arith.constant 128 : i32
      %dma_wait3A_195 = arith.constant 0 : i32
      %dma_wait3A_196 = tpu.memref_slice %arg26[%dma_wait3A_194, %dma_wait3A_195] : memref<896x8xf32, #tpu.memory_space<vmem>> -> memref<128x8xf32, #tpu.memory_space<vmem>>
      %dma_wait3A_197 = arith.constant 128 : i32
      %dma_wait3A_198 = tpu.memref_slice %arg24[%dma_wait3A_197] : memref<896xi32, #tpu.memory_space<vmem>> -> memref<128xi32, #tpu.memory_space<vmem>>
      %dma_wait3A_199 = arith.constant 0 : i32
      %dma_wait3A_200 = arith.constant 0 : i32
      %dma_wait3A_201 = tpu.memref_slice %arg10[%dma_wait3A_199, %dma_wait3A_200] : memref<100000x8xf32, #tpu.memory_space<hbm>> -> memref<100000x8xf32, #tpu.memory_space<hbm>>
      tpu.wait_indirect_dma semaphore(%arg29 : memref<!tpu.dma_semaphore, #tpu.memory_space<semaphore_mem>>) src(%dma_wait3A_201 : memref<100000x8xf32, #tpu.memory_space<hbm>>) dst(%dma_wait3A_196 : memref<128x8xf32, #tpu.memory_space<vmem>>)
      %dma_wait3A_202 = arith.constant 256 : i32
      %dma_wait3A_203 = arith.constant 0 : i32
      %dma_wait3A_204 = tpu.memref_slice %arg25[%dma_wait3A_202, %dma_wait3A_203] : memref<896x8xf32, #tpu.memory_space<vmem>> -> memref<128x8xf32, #tpu.memory_space<vmem>>
      %dma_wait3A_205 = arith.constant 256 : i32
      %dma_wait3A_206 = tpu.memref_slice %arg23[%dma_wait3A_205] : memref<896xi32, #tpu.memory_space<vmem>> -> memref<128xi32, #tpu.memory_space<vmem>>
      %dma_wait3A_207 = arith.constant 0 : i32
      %dma_wait3A_208 = arith.constant 0 : i32
      %dma_wait3A_209 = tpu.memref_slice %arg10[%dma_wait3A_207, %dma_wait3A_208] : memref<100000x8xf32, #tpu.memory_space<hbm>> -> memref<100000x8xf32, #tpu.memory_space<hbm>>
      tpu.wait_indirect_dma semaphore(%arg29 : memref<!tpu.dma_semaphore, #tpu.memory_space<semaphore_mem>>) src(%dma_wait3A_209 : memref<100000x8xf32, #tpu.memory_space<hbm>>) dst(%dma_wait3A_204 : memref<128x8xf32, #tpu.memory_space<vmem>>)
      %dma_wait3A_210 = arith.constant 256 : i32
      %dma_wait3A_211 = arith.constant 0 : i32
      %dma_wait3A_212 = tpu.memref_slice %arg26[%dma_wait3A_210, %dma_wait3A_211] : memref<896x8xf32, #tpu.memory_space<vmem>> -> memref<128x8xf32, #tpu.memory_space<vmem>>
      %dma_wait3A_213 = arith.constant 256 : i32
      %dma_wait3A_214 = tpu.memref_slice %arg24[%dma_wait3A_213] : memref<896xi32, #tpu.memory_space<vmem>> -> memref<128xi32, #tpu.memory_space<vmem>>
      %dma_wait3A_215 = arith.constant 0 : i32
      %dma_wait3A_216 = arith.constant 0 : i32
      %dma_wait3A_217 = tpu.memref_slice %arg10[%dma_wait3A_215, %dma_wait3A_216] : memref<100000x8xf32, #tpu.memory_space<hbm>> -> memref<100000x8xf32, #tpu.memory_space<hbm>>
      tpu.wait_indirect_dma semaphore(%arg29 : memref<!tpu.dma_semaphore, #tpu.memory_space<semaphore_mem>>) src(%dma_wait3A_217 : memref<100000x8xf32, #tpu.memory_space<hbm>>) dst(%dma_wait3A_212 : memref<128x8xf32, #tpu.memory_space<vmem>>)
      %dma_wait3A_218 = arith.constant 384 : i32
      %dma_wait3A_219 = arith.constant 0 : i32
      %dma_wait3A_220 = tpu.memref_slice %arg25[%dma_wait3A_218, %dma_wait3A_219] : memref<896x8xf32, #tpu.memory_space<vmem>> -> memref<128x8xf32, #tpu.memory_space<vmem>>
      %dma_wait3A_221 = arith.constant 384 : i32
      %dma_wait3A_222 = tpu.memref_slice %arg23[%dma_wait3A_221] : memref<896xi32, #tpu.memory_space<vmem>> -> memref<128xi32, #tpu.memory_space<vmem>>
      %dma_wait3A_223 = arith.constant 0 : i32
      %dma_wait3A_224 = arith.constant 0 : i32
      %dma_wait3A_225 = tpu.memref_slice %arg10[%dma_wait3A_223, %dma_wait3A_224] : memref<100000x8xf32, #tpu.memory_space<hbm>> -> memref<100000x8xf32, #tpu.memory_space<hbm>>
      tpu.wait_indirect_dma semaphore(%arg29 : memref<!tpu.dma_semaphore, #tpu.memory_space<semaphore_mem>>) src(%dma_wait3A_225 : memref<100000x8xf32, #tpu.memory_space<hbm>>) dst(%dma_wait3A_220 : memref<128x8xf32, #tpu.memory_space<vmem>>)
      %dma_wait3A_226 = arith.constant 384 : i32
      %dma_wait3A_227 = arith.constant 0 : i32
      %dma_wait3A_228 = tpu.memref_slice %arg26[%dma_wait3A_226, %dma_wait3A_227] : memref<896x8xf32, #tpu.memory_space<vmem>> -> memref<128x8xf32, #tpu.memory_space<vmem>>
      %dma_wait3A_229 = arith.constant 384 : i32
      %dma_wait3A_230 = tpu.memref_slice %arg24[%dma_wait3A_229] : memref<896xi32, #tpu.memory_space<vmem>> -> memref<128xi32, #tpu.memory_space<vmem>>
      %dma_wait3A_231 = arith.constant 0 : i32
      %dma_wait3A_232 = arith.constant 0 : i32
      %dma_wait3A_233 = tpu.memref_slice %arg10[%dma_wait3A_231, %dma_wait3A_232] : memref<100000x8xf32, #tpu.memory_space<hbm>> -> memref<100000x8xf32, #tpu.memory_space<hbm>>
      tpu.wait_indirect_dma semaphore(%arg29 : memref<!tpu.dma_semaphore, #tpu.memory_space<semaphore_mem>>) src(%dma_wait3A_233 : memref<100000x8xf32, #tpu.memory_space<hbm>>) dst(%dma_wait3A_228 : memref<128x8xf32, #tpu.memory_space<vmem>>)
      %dma_wait3A_234 = arith.constant 512 : i32
      %dma_wait3A_235 = arith.constant 0 : i32
      %dma_wait3A_236 = tpu.memref_slice %arg25[%dma_wait3A_234, %dma_wait3A_235] : memref<896x8xf32, #tpu.memory_space<vmem>> -> memref<128x8xf32, #tpu.memory_space<vmem>>
      %dma_wait3A_237 = arith.constant 512 : i32
      %dma_wait3A_238 = tpu.memref_slice %arg23[%dma_wait3A_237] : memref<896xi32, #tpu.memory_space<vmem>> -> memref<128xi32, #tpu.memory_space<vmem>>
      %dma_wait3A_239 = arith.constant 0 : i32
      %dma_wait3A_240 = arith.constant 0 : i32
      %dma_wait3A_241 = tpu.memref_slice %arg10[%dma_wait3A_239, %dma_wait3A_240] : memref<100000x8xf32, #tpu.memory_space<hbm>> -> memref<100000x8xf32, #tpu.memory_space<hbm>>
      tpu.wait_indirect_dma semaphore(%arg29 : memref<!tpu.dma_semaphore, #tpu.memory_space<semaphore_mem>>) src(%dma_wait3A_241 : memref<100000x8xf32, #tpu.memory_space<hbm>>) dst(%dma_wait3A_236 : memref<128x8xf32, #tpu.memory_space<vmem>>)
      %dma_wait3A_242 = arith.constant 512 : i32
      %dma_wait3A_243 = arith.constant 0 : i32
      %dma_wait3A_244 = tpu.memref_slice %arg26[%dma_wait3A_242, %dma_wait3A_243] : memref<896x8xf32, #tpu.memory_space<vmem>> -> memref<128x8xf32, #tpu.memory_space<vmem>>
      %dma_wait3A_245 = arith.constant 512 : i32
      %dma_wait3A_246 = tpu.memref_slice %arg24[%dma_wait3A_245] : memref<896xi32, #tpu.memory_space<vmem>> -> memref<128xi32, #tpu.memory_space<vmem>>
      %dma_wait3A_247 = arith.constant 0 : i32
      %dma_wait3A_248 = arith.constant 0 : i32
      %dma_wait3A_249 = tpu.memref_slice %arg10[%dma_wait3A_247, %dma_wait3A_248] : memref<100000x8xf32, #tpu.memory_space<hbm>> -> memref<100000x8xf32, #tpu.memory_space<hbm>>
      tpu.wait_indirect_dma semaphore(%arg29 : memref<!tpu.dma_semaphore, #tpu.memory_space<semaphore_mem>>) src(%dma_wait3A_249 : memref<100000x8xf32, #tpu.memory_space<hbm>>) dst(%dma_wait3A_244 : memref<128x8xf32, #tpu.memory_space<vmem>>)
      %dma_wait3A_250 = arith.constant 640 : i32
      %dma_wait3A_251 = arith.constant 0 : i32
      %dma_wait3A_252 = tpu.memref_slice %arg25[%dma_wait3A_250, %dma_wait3A_251] : memref<896x8xf32, #tpu.memory_space<vmem>> -> memref<128x8xf32, #tpu.memory_space<vmem>>
      %dma_wait3A_253 = arith.constant 640 : i32
      %dma_wait3A_254 = tpu.memref_slice %arg23[%dma_wait3A_253] : memref<896xi32, #tpu.memory_space<vmem>> -> memref<128xi32, #tpu.memory_space<vmem>>
      %dma_wait3A_255 = arith.constant 0 : i32
      %dma_wait3A_256 = arith.constant 0 : i32
      %dma_wait3A_257 = tpu.memref_slice %arg10[%dma_wait3A_255, %dma_wait3A_256] : memref<100000x8xf32, #tpu.memory_space<hbm>> -> memref<100000x8xf32, #tpu.memory_space<hbm>>
      tpu.wait_indirect_dma semaphore(%arg29 : memref<!tpu.dma_semaphore, #tpu.memory_space<semaphore_mem>>) src(%dma_wait3A_257 : memref<100000x8xf32, #tpu.memory_space<hbm>>) dst(%dma_wait3A_252 : memref<128x8xf32, #tpu.memory_space<vmem>>)
      %dma_wait3A_258 = arith.constant 640 : i32
      %dma_wait3A_259 = arith.constant 0 : i32
      %dma_wait3A_260 = tpu.memref_slice %arg26[%dma_wait3A_258, %dma_wait3A_259] : memref<896x8xf32, #tpu.memory_space<vmem>> -> memref<128x8xf32, #tpu.memory_space<vmem>>
      %dma_wait3A_261 = arith.constant 640 : i32
      %dma_wait3A_262 = tpu.memref_slice %arg24[%dma_wait3A_261] : memref<896xi32, #tpu.memory_space<vmem>> -> memref<128xi32, #tpu.memory_space<vmem>>
      %dma_wait3A_263 = arith.constant 0 : i32
      %dma_wait3A_264 = arith.constant 0 : i32
      %dma_wait3A_265 = tpu.memref_slice %arg10[%dma_wait3A_263, %dma_wait3A_264] : memref<100000x8xf32, #tpu.memory_space<hbm>> -> memref<100000x8xf32, #tpu.memory_space<hbm>>
      tpu.wait_indirect_dma semaphore(%arg29 : memref<!tpu.dma_semaphore, #tpu.memory_space<semaphore_mem>>) src(%dma_wait3A_265 : memref<100000x8xf32, #tpu.memory_space<hbm>>) dst(%dma_wait3A_260 : memref<128x8xf32, #tpu.memory_space<vmem>>)
      %dma_wait3A_266 = arith.constant 768 : i32
      %dma_wait3A_267 = arith.constant 0 : i32
      %dma_wait3A_268 = tpu.memref_slice %arg25[%dma_wait3A_266, %dma_wait3A_267] : memref<896x8xf32, #tpu.memory_space<vmem>> -> memref<128x8xf32, #tpu.memory_space<vmem>>
      %dma_wait3A_269 = arith.constant 768 : i32
      %dma_wait3A_270 = tpu.memref_slice %arg23[%dma_wait3A_269] : memref<896xi32, #tpu.memory_space<vmem>> -> memref<128xi32, #tpu.memory_space<vmem>>
      %dma_wait3A_271 = arith.constant 0 : i32
      %dma_wait3A_272 = arith.constant 0 : i32
      %dma_wait3A_273 = tpu.memref_slice %arg10[%dma_wait3A_271, %dma_wait3A_272] : memref<100000x8xf32, #tpu.memory_space<hbm>> -> memref<100000x8xf32, #tpu.memory_space<hbm>>
      tpu.wait_indirect_dma semaphore(%arg29 : memref<!tpu.dma_semaphore, #tpu.memory_space<semaphore_mem>>) src(%dma_wait3A_273 : memref<100000x8xf32, #tpu.memory_space<hbm>>) dst(%dma_wait3A_268 : memref<128x8xf32, #tpu.memory_space<vmem>>)
      %dma_wait3A_274 = arith.constant 768 : i32
      %dma_wait3A_275 = arith.constant 0 : i32
      %dma_wait3A_276 = tpu.memref_slice %arg26[%dma_wait3A_274, %dma_wait3A_275] : memref<896x8xf32, #tpu.memory_space<vmem>> -> memref<128x8xf32, #tpu.memory_space<vmem>>
      %dma_wait3A_277 = arith.constant 768 : i32
      %dma_wait3A_278 = tpu.memref_slice %arg24[%dma_wait3A_277] : memref<896xi32, #tpu.memory_space<vmem>> -> memref<128xi32, #tpu.memory_space<vmem>>
      %dma_wait3A_279 = arith.constant 0 : i32
      %dma_wait3A_280 = arith.constant 0 : i32
      %dma_wait3A_281 = tpu.memref_slice %arg10[%dma_wait3A_279, %dma_wait3A_280] : memref<100000x8xf32, #tpu.memory_space<hbm>> -> memref<100000x8xf32, #tpu.memory_space<hbm>>
      tpu.wait_indirect_dma semaphore(%arg29 : memref<!tpu.dma_semaphore, #tpu.memory_space<semaphore_mem>>) src(%dma_wait3A_281 : memref<100000x8xf32, #tpu.memory_space<hbm>>) dst(%dma_wait3A_276 : memref<128x8xf32, #tpu.memory_space<vmem>>)
      %scan3A_282 = arith.constant 0 : i32
      %scan3A_283 = arith.constant 56 : i32
      %scan3A_284 = arith.addi %scan3A_282, %scan3A_283 : i32
      %scan3A_285 = arith.constant 1 : i32
      %scan3A_286:3 = scf.for %scan3A_288 = %scan3A_282 to %scan3A_284 step %scan3A_285 iter_args(%scan3A_289 = %scan3A_54, %scan3A_290 = %scan3A_55, %scan3A_291 = %scan3A_56) -> (vector<16xf32>, vector<16xf32>, vector<16xf32>)  : i32 {
        %mul3A_292 = arith.constant 16 : i32
        %mul3A_293 = arith.muli %scan3A_288, %mul3A_292 : i32
        %add3A_294 = vector.broadcast %mul3A_293 : i32 to vector<16xi32>
        %add3A_295 = arith.addi %add3A_294, %iota3A : vector<16xi32>
        %mul3A_296 = arith.constant 896 : i32
        %mul3A_297 = arith.muli %scan3A_53, %mul3A_296 : i32
        %mul3A_298 = arith.constant 16 : i32
        %mul3A_299 = arith.muli %scan3A_288, %mul3A_298 : i32
        %add3A_300 = arith.addi %mul3A_297, %mul3A_299 : i32
        %mul3A_301 = arith.constant 16 : i32
        %mul3A_302 = arith.muli %scan3A_288, %mul3A_301 : i32
        %add3A_303 = arith.addi %add3A_59, %mul3A_302 : i32
        %add3A_304 = vector.broadcast %add3A_303 : i32 to vector<16xi32>
        %add3A_305 = arith.addi %add3A_304, %iota3A : vector<16xi32>
        %lt3A = arith.constant 200000 : i32
        %lt3A_306 = vector.broadcast %lt3A : i32 to vector<16xi32>
        %lt3A_307 = arith.cmpi slt, %add3A_305, %lt3A_306 : vector<16xi32>
        %gather3A = tpu.vector_load_idx %arg27[%add3A_295, %broadcast_in_dim3A_5] : memref<896x8xf32, #tpu.memory_space<vmem>>[vector<16xi32>, vector<16xi32>], vector<16xf32>,
        %add3A_308 = arith.constant 1 : i32
        %add3A_309 = vector.broadcast %add3A_308 : i32 to vector<16xi32>
        %add3A_310 = arith.addi %broadcast_in_dim3A_5, %add3A_309 : vector<16xi32>
        %gather3A_311 = tpu.vector_load_idx %arg27[%add3A_295, %add3A_310] : memref<896x8xf32, #tpu.memory_space<vmem>>[vector<16xi32>, vector<16xi32>], vector<16xf32>,
        %add3A_312 = arith.constant 2 : i32
        %add3A_313 = vector.broadcast %add3A_312 : i32 to vector<16xi32>
        %add3A_314 = arith.addi %broadcast_in_dim3A_5, %add3A_313 : vector<16xi32>
        %gather3A_315 = tpu.vector_load_idx %arg27[%add3A_295, %add3A_314] : memref<896x8xf32, #tpu.memory_space<vmem>>[vector<16xi32>, vector<16xi32>], vector<16xf32>,
        %add3A_316 = arith.constant 3 : i32
        %add3A_317 = vector.broadcast %add3A_316 : i32 to vector<16xi32>
        %add3A_318 = arith.addi %broadcast_in_dim3A_5, %add3A_317 : vector<16xi32>
        %gather3A_319 = tpu.vector_load_idx %arg27[%add3A_295, %add3A_318] : memref<896x8xf32, #tpu.memory_space<vmem>>[vector<16xi32>, vector<16xi32>], vector<16xf32>,
        %add3A_320 = arith.constant 4 : i32
        %add3A_321 = vector.broadcast %add3A_320 : i32 to vector<16xi32>
        %add3A_322 = arith.addi %broadcast_in_dim3A_5, %add3A_321 : vector<16xi32>
        %gather3A_323 = tpu.vector_load_idx %arg27[%add3A_295, %add3A_322] : memref<896x8xf32, #tpu.memory_space<vmem>>[vector<16xi32>, vector<16xi32>], vector<16xf32>,
        %mul3A_324 = arith.mulf %gather3A_315, %gather3A_319 : vector<16xf32>
        %mul3A_325 = arith.mulf %gather3A_315, %gather3A_323 : vector<16xf32>
        %abs3A = math.absf %gather3A : vector<16xf32>
        %abs3A_326 = math.absf %gather3A_311 : vector<16xf32>
        %gt3A = arith.cmpf ogt, %abs3A, %abs3A_326 : vector<16xf32>
        %jit3A = arith.constant 1.000000e+00 : f32
        %jit3A_327 = arith.constant -1.000000e+00 : f32
        %broadcast_in_dim3A_328 = vector.broadcast %jit3A : f32 to vector<16xf32>
        %broadcast_in_dim3A_329 = vector.broadcast %jit3A_327 : f32 to vector<16xf32>
        %select_n3A = arith.select %gt3A, %broadcast_in_dim3A_328, %broadcast_in_dim3A_329 : vector<16xi1>, vector<16xf32>
        %get3A = arith.index_cast %add3A_300 : i32 to index
        %get3A_330 = tpu.vector_load %arg15[%get3A] {strides = array<i32>} : memref<6272xf32, #tpu.memory_space<vmem>>, vector<16xf32>,
        %get3A_331 = arith.index_cast %add3A_300 : i32 to index
        %get3A_332 = tpu.vector_load %arg16[%get3A_331] {strides = array<i32>} : memref<6272xf32, #tpu.memory_space<vmem>>, vector<16xf32>,
        %get3A_333 = arith.index_cast %add3A_300 : i32 to index
        %get3A_334 = tpu.vector_load %arg17[%get3A_333] {strides = array<i32>} : memref<6272xf32, #tpu.memory_space<vmem>>, vector<16xf32>,
        %get3A_335 = arith.index_cast %add3A_300 : i32 to index
        %get3A_336 = tpu.vector_load %arg18[%get3A_335] {strides = array<i32>} : memref<6272xf32, #tpu.memory_space<vmem>>, vector<16xf32>,
        %get3A_337 = arith.index_cast %add3A_300 : i32 to index
        %get3A_338 = tpu.vector_load %arg19[%get3A_337] {strides = array<i32>} : memref<6272xf32, #tpu.memory_space<vmem>>, vector<16xf32>,
        %get3A_339 = arith.index_cast %add3A_300 : i32 to index
        %get3A_340 = tpu.vector_load %arg20[%get3A_339] {strides = array<i32>} : memref<6272xf32, #tpu.memory_space<vmem>>, vector<16xf32>,
        %mul3A_341 = arith.mulf %get3A_330, %gather3A : vector<16xf32>
        %mul3A_342 = arith.mulf %get3A_332, %gather3A_311 : vector<16xf32>
        %add3A_343 = arith.addf %mul3A_341, %mul3A_342 : vector<16xf32>
        %neg3A = arith.constant 0.000000e+00 : f32
        %neg3A_344 = vector.broadcast %neg3A : f32 to vector<16xf32>
        %neg3A_345 = arith.subf %neg3A_344, %get3A_330 : vector<16xf32>
        %mul3A_346 = arith.mulf %neg3A_345, %gather3A_311 : vector<16xf32>
        %mul3A_347 = arith.mulf %get3A_332, %gather3A : vector<16xf32>
        %add3A_348 = arith.addf %mul3A_346, %mul3A_347 : vector<16xf32>
        %mul3A_349 = arith.mulf %get3A_336, %gather3A : vector<16xf32>
        %mul3A_350 = arith.mulf %get3A_338, %gather3A_311 : vector<16xf32>
        %add3A_351 = arith.addf %mul3A_349, %mul3A_350 : vector<16xf32>
        %neg3A_352 = arith.constant 0.000000e+00 : f32
        %neg3A_353 = vector.broadcast %neg3A_352 : f32 to vector<16xf32>
        %neg3A_354 = arith.subf %neg3A_353, %get3A_336 : vector<16xf32>
        %mul3A_355 = arith.mulf %neg3A_354, %gather3A_311 : vector<16xf32>
        %mul3A_356 = arith.mulf %get3A_338, %gather3A : vector<16xf32>
        %add3A_357 = arith.addf %mul3A_355, %mul3A_356 : vector<16xf32>
        %add3A_358 = arith.constant 1 : i32
        %add3A_359 = vector.broadcast %add3A_358 : i32 to vector<16xi32>
        %add3A_360 = arith.addi %broadcast_in_dim3A_5, %add3A_359 : vector<16xi32>
        %select_n3A_361 = arith.select %gt3A, %broadcast_in_dim3A_5, %add3A_360 : vector<16xi1>, vector<16xi32>
        %add3A_362 = arith.constant 2 : i32
        %add3A_363 = vector.broadcast %add3A_362 : i32 to vector<16xi32>
        %add3A_364 = arith.addi %broadcast_in_dim3A_5, %add3A_363 : vector<16xi32>
        %add3A_365 = arith.constant 3 : i32
        %add3A_366 = vector.broadcast %add3A_365 : i32 to vector<16xi32>
        %add3A_367 = arith.addi %broadcast_in_dim3A_5, %add3A_366 : vector<16xi32>
        %select_n3A_368 = arith.select %gt3A, %add3A_364, %add3A_367 : vector<16xi1>, vector<16xi32>
        %add3A_369 = arith.constant 4 : i32
        %add3A_370 = vector.broadcast %add3A_369 : i32 to vector<16xi32>
        %add3A_371 = arith.addi %broadcast_in_dim3A_5, %add3A_370 : vector<16xi32>
        %add3A_372 = arith.constant 5 : i32
        %add3A_373 = vector.broadcast %add3A_372 : i32 to vector<16xi32>
        %add3A_374 = arith.addi %broadcast_in_dim3A_5, %add3A_373 : vector<16xi32>
        %select_n3A_375 = arith.select %gt3A, %add3A_371, %add3A_374 : vector<16xi1>, vector<16xi32>
        %gather3A_376 = tpu.vector_load_idx %arg25[%add3A_295, %select_n3A_361] : memref<896x8xf32, #tpu.memory_space<vmem>>[vector<16xi32>, vector<16xi32>], vector<16xf32>,
        %gather3A_377 = tpu.vector_load_idx %arg26[%add3A_295, %select_n3A_361] : memref<896x8xf32, #tpu.memory_space<vmem>>[vector<16xi32>, vector<16xi32>], vector<16xf32>,
        %gather3A_378 = tpu.vector_load_idx %arg25[%add3A_295, %select_n3A_368] : memref<896x8xf32, #tpu.memory_space<vmem>>[vector<16xi32>, vector<16xi32>], vector<16xf32>,
        %mul3A_379 = arith.mulf %gather3A_378, %select_n3A : vector<16xf32>
        %gather3A_380 = tpu.vector_load_idx %arg26[%add3A_295, %select_n3A_368] : memref<896x8xf32, #tpu.memory_space<vmem>>[vector<16xi32>, vector<16xi32>], vector<16xf32>,
        %mul3A_381 = arith.mulf %gather3A_380, %select_n3A : vector<16xf32>
        %gather3A_382 = tpu.vector_load_idx %arg25[%add3A_295, %select_n3A_375] : memref<896x8xf32, #tpu.memory_space<vmem>>[vector<16xi32>, vector<16xi32>], vector<16xf32>,
        %mul3A_383 = arith.mulf %gather3A_382, %select_n3A : vector<16xf32>
        %gather3A_384 = tpu.vector_load_idx %arg26[%add3A_295, %select_n3A_375] : memref<896x8xf32, #tpu.memory_space<vmem>>[vector<16xi32>, vector<16xi32>], vector<16xf32>,
        %mul3A_385 = arith.mulf %gather3A_384, %select_n3A : vector<16xf32>
        %mul3A_386 = arith.mulf %mul3A_324, %gather3A_376 : vector<16xf32>
        %add3A_387 = arith.addf %add3A_343, %mul3A_386 : vector<16xf32>
        %mul3A_388 = arith.mulf %add3A_387, %add3A_387 : vector<16xf32>
        %mul3A_389 = arith.mulf %mul3A_324, %gather3A_377 : vector<16xf32>
        %sub3A = arith.subf %add3A_351, %mul3A_389 : vector<16xf32>
        %mul3A_390 = arith.mulf %sub3A, %sub3A : vector<16xf32>
        %add3A_391 = arith.addf %mul3A_388, %mul3A_390 : vector<16xf32>
        %mul3A_392 = arith.mulf %mul3A_325, %mul3A_379 : vector<16xf32>
        %add3A_393 = arith.addf %get3A_334, %mul3A_392 : vector<16xf32>
        %mul3A_394 = arith.mulf %add3A_393, %add3A_393 : vector<16xf32>
        %mul3A_395 = arith.mulf %mul3A_325, %mul3A_381 : vector<16xf32>
        %sub3A_396 = arith.subf %get3A_340, %mul3A_395 : vector<16xf32>
        %mul3A_397 = arith.mulf %sub3A_396, %sub3A_396 : vector<16xf32>
        %add3A_398 = arith.addf %mul3A_394, %mul3A_397 : vector<16xf32>
        %mul3A_399 = arith.mulf %mul3A_325, %mul3A_383 : vector<16xf32>
        %add3A_400 = arith.addf %add3A_348, %mul3A_399 : vector<16xf32>
        %mul3A_401 = arith.mulf %add3A_400, %add3A_400 : vector<16xf32>
        %mul3A_402 = arith.mulf %mul3A_325, %mul3A_385 : vector<16xf32>
        %sub3A_403 = arith.subf %add3A_357, %mul3A_402 : vector<16xf32>
        %mul3A_404 = arith.mulf %sub3A_403, %sub3A_403 : vector<16xf32>
        %add3A_405 = arith.addf %mul3A_401, %mul3A_404 : vector<16xf32>
        %select_n3A_406 = arith.select %lt3A_307, %add3A_391, %broadcast_in_dim3A_3 : vector<16xi1>, vector<16xf32>
        %add3A_407 = arith.addf %scan3A_289, %select_n3A_406 : vector<16xf32>
        %select_n3A_408 = arith.select %lt3A_307, %add3A_398, %broadcast_in_dim3A_3 : vector<16xi1>, vector<16xf32>
        %add3A_409 = arith.addf %scan3A_290, %select_n3A_408 : vector<16xf32>
        %select_n3A_410 = arith.select %lt3A_307, %add3A_405, %broadcast_in_dim3A_3 : vector<16xi1>, vector<16xf32>
        %add3A_411 = arith.addf %scan3A_291, %select_n3A_410 : vector<16xf32>
        scf.yield %add3A_407, %add3A_409, %add3A_411 : vector<16xf32>, vector<16xf32>, vector<16xf32>
      }
      %scan3A_287 = arith.constant 56 : i32
      scf.yield %scan3A_286#0, %scan3A_286#1, %scan3A_286#2 : vector<16xf32>, vector<16xf32>, vector<16xf32>
    }
    %scan3A_45 = arith.constant 7 : i32
    %swap3A = arith.constant 0 : index
    %swap3A_46 = tpu.vector_load %arg28[%swap3A] {strides = array<i32>} : memref<48xf32, #tpu.memory_space<vmem>>, vector<16xf32>,
    tpu.vector_store %arg28[%swap3A], %scan3A_44#0 {strides = array<i32>} : memref<48xf32, #tpu.memory_space<vmem>>, vector<16xf32>,
    %swap3A_47 = arith.constant 16 : index
    %swap3A_48 = tpu.vector_load %arg28[%swap3A_47] {strides = array<i32>} : memref<48xf32, #tpu.memory_space<vmem>>, vector<16xf32>,
    tpu.vector_store %arg28[%swap3A_47], %scan3A_44#1 {strides = array<i32>} : memref<48xf32, #tpu.memory_space<vmem>>, vector<16xf32>,
    %swap3A_49 = arith.constant 32 : index
    %swap3A_50 = tpu.vector_load %arg28[%swap3A_49] {strides = array<i32>} : memref<48xf32, #tpu.memory_space<vmem>>, vector<16xf32>,
    tpu.vector_store %arg28[%swap3A_49], %scan3A_44#2 {strides = array<i32>} : memref<48xf32, #tpu.memory_space<vmem>>, vector<16xf32>,
    %barrier3A = arith.constant 0 : index
    tpu.barrier barrier_id(%barrier3A)
    %mul3A_51 = arith.constant 48 : i32
    %mul3A_52 = arith.muli %add3A, %mul3A_51 : i32
    "tpu.region"() ({
      %run_scoped3A = tpu.sem_alloc : memref<!tpu.dma_semaphore, #tpu.memory_space<semaphore_mem>>
      %dma_start3A = tpu.memref_slice %arg14[%mul3A_52] : memref<1536xf32, #tpu.memory_space<hbm>> -> memref<48xf32, #tpu.memory_space<hbm>>
      %dma_start3A_53 = tpu.memref_slice %arg14[%mul3A_52] : memref<1536xf32, #tpu.memory_space<hbm>> -> memref<48xf32, #tpu.memory_space<hbm>>
      tpu.enqueue_dma source(%arg28 : memref<48xf32, #tpu.memory_space<vmem>>) target(%dma_start3A_53 : memref<48xf32, #tpu.memory_space<hbm>>) target_semaphore(%run_scoped3A : memref<!tpu.dma_semaphore, #tpu.memory_space<semaphore_mem>>)
      %dma_wait3A = tpu.memref_slice %arg14[%mul3A_52] : memref<1536xf32, #tpu.memory_space<hbm>> -> memref<48xf32, #tpu.memory_space<hbm>>
      %dma_wait3A_54 = tpu.memref_slice %arg14[%mul3A_52] : memref<1536xf32, #tpu.memory_space<hbm>> -> memref<48xf32, #tpu.memory_space<hbm>>
      tpu.wait_dma2 semaphore(%run_scoped3A : memref<!tpu.dma_semaphore, #tpu.memory_space<semaphore_mem>>) src(%arg28 : memref<48xf32, #tpu.memory_space<vmem>>) dst(%dma_wait3A_54 : memref<48xf32, #tpu.memory_space<hbm>>)
      tpu.yield
    }) : () -> ()
    return
  }
}

module attributes {stable_mosaic.version = 14 : i64} {
  func.func @_tc_body(%arg0: i32, %arg1: memref<2048x8xf32, #tpu.memory_space<vmem>>, %arg2: memref<2048x4xi32, #tpu.memory_space<vmem>>, %arg3: memref<2048x4xi32, #tpu.memory_space<vmem>>, %arg4: memref<2048x4xf32, #tpu.memory_space<vmem>>, %arg5: memref<2048x3xf32, #tpu.memory_space<vmem>>, %arg6: memref<2048x1xf32, #tpu.memory_space<vmem>>, %arg7: memref<2048x1xf32, #tpu.memory_space<vmem>>, %arg8: memref<8x64xf32, #tpu.memory_space<vmem>>, %arg9: memref<1x64xf32, #tpu.memory_space<vmem>>, %arg10: memref<64x32xf32, #tpu.memory_space<vmem>>, %arg11: memref<64x32xf32, #tpu.memory_space<vmem>>, %arg12: memref<64x32xf32, #tpu.memory_space<vmem>>, %arg13: memref<64x32xf32, #tpu.memory_space<vmem>>, %arg14: memref<1x32xf32, #tpu.memory_space<vmem>>, %arg15: memref<2048x16xf32, #tpu.memory_space<vmem>>, %arg16: memref<2048x8xf32, #tpu.memory_space<vmem>>, %arg17: memref<2048x4xi32, #tpu.memory_space<vmem>>, %arg18: memref<8x128xf32, #tpu.memory_space<vmem>>) attributes {dimension_semantics = [#tpu.dimension_semantics<arbitrary>], iteration_bounds = array<i64: 49>, scalar_prefetch = 0 : i64, scratch_operands = 0 : i64, tpu.core_type = #tpu.core_type<tc>, window_params = [{transform_indices = @transform_0, window_bounds = array<i64: 2048, 8>}, {transform_indices = @transform_1, window_bounds = array<i64: 2048, 4>}, {transform_indices = @transform_2, window_bounds = array<i64: 2048, 4>}, {transform_indices = @transform_3, window_bounds = array<i64: 2048, 4>}, {transform_indices = @transform_4, window_bounds = array<i64: 2048, 3>}, {transform_indices = @transform_5, window_bounds = array<i64: 2048, 1>}, {transform_indices = @transform_6, window_bounds = array<i64: 2048, 1>}, {pipeline_mode = #tpu.pipeline_mode<synchronous>, transform_indices = @transform_7, window_bounds = array<i64: 8, 64>}, {pipeline_mode = #tpu.pipeline_mode<synchronous>, transform_indices = @transform_8, window_bounds = array<i64: 1, 64>}, {pipeline_mode = #tpu.pipeline_mode<synchronous>, transform_indices = @transform_9, window_bounds = array<i64: 64, 32>}, {pipeline_mode = #tpu.pipeline_mode<synchronous>, transform_indices = @transform_10, window_bounds = array<i64: 64, 32>}, {pipeline_mode = #tpu.pipeline_mode<synchronous>, transform_indices = @transform_11, window_bounds = array<i64: 64, 32>}, {pipeline_mode = #tpu.pipeline_mode<synchronous>, transform_indices = @transform_12, window_bounds = array<i64: 64, 32>}, {pipeline_mode = #tpu.pipeline_mode<synchronous>, transform_indices = @transform_13, window_bounds = array<i64: 1, 32>}, {transform_indices = @transform_14, window_bounds = array<i64: 2048, 16>}, {transform_indices = @transform_15, window_bounds = array<i64: 2048, 8>}, {transform_indices = @transform_16, window_bounds = array<i64: 2048, 4>}, {pipeline_mode = #tpu.pipeline_mode<synchronous>, transform_indices = @transform_17, window_bounds = array<i64: 8, 128>}]} {
    %mul3A = arith.constant 2048 : i32
    %mul3A_0 = arith.muli %arg0, %mul3A : i32
    %iota3A = tpu.iota {dimensions = array<i32: 0>} : vector<2048x1xi32>
    %add3A = vector.broadcast %mul3A_0 : i32 to vector<2048x1xi32>
    %add3A_1 = arith.addi %add3A, %iota3A : vector<2048x1xi32>
    %lt3A = arith.constant 100000 : i32
    %lt3A_2 = vector.broadcast %lt3A : i32 to vector<2048x1xi32>
    %lt3A_3 = arith.cmpi slt, %add3A_1, %lt3A_2 : vector<2048x1xi32>
    %get3A = arith.constant 0 : index
    %get3A_4 = arith.constant 0 : index
    %get3A_5 = vector.load %arg1[%get3A, %get3A_4] : memref<2048x8xf32, #tpu.memory_space<vmem>>, vector<2048x8xf32>
    %get3A_6 = arith.constant 0 : index
    %get3A_7 = arith.constant 0 : index
    %get3A_8 = vector.load %arg8[%get3A_6, %get3A_7] : memref<8x64xf32, #tpu.memory_space<vmem>>, vector<8x64xf32>
    %dot_general3A = arith.constant dense<0.000000e+00> : vector<2048x64xf32>
    %dot_general3A_9 = tpu.matmul %get3A_5, %get3A_8, %dot_general3A {dimension_numbers = #tpu.dot_dimension_numbers<[1], [0], [0], [1], [0, 0, 1, 1], [], []>, transpose_lhs_hint = false} : vector<2048x8xf32>, vector<8x64xf32>, vector<2048x64xf32> -> vector<2048x64xf32>
    %get3A_10 = arith.constant 0 : index
    %get3A_11 = arith.constant 0 : index
    %get3A_12 = vector.load %arg9[%get3A_10, %get3A_11] : memref<1x64xf32, #tpu.memory_space<vmem>>, vector<1x64xf32>
    %add3A_13 = vector.broadcast %get3A_12 : vector<1x64xf32> to vector<2048x64xf32>
    %add3A_14 = arith.addf %dot_general3A_9, %add3A_13 : vector<2048x64xf32>
    %tanh3A = math.tanh %add3A_14 : vector<2048x64xf32>
    %mul3A_15 = arith.mulf %tanh3A, %tanh3A : vector<2048x64xf32>
    %sub3A = arith.constant 1.000000e+00 : f32
    %sub3A_16 = vector.broadcast %sub3A : f32 to vector<2048x64xf32>
    %sub3A_17 = arith.subf %sub3A_16, %mul3A_15 : vector<2048x64xf32>
    %mul3A_18 = arith.mulf %tanh3A, %sub3A_17 : vector<2048x64xf32>
    %mul3A_19 = arith.constant 3.000000e+00 : f32
    %mul3A_20 = vector.broadcast %mul3A_19 : f32 to vector<2048x64xf32>
    %mul3A_21 = arith.mulf %mul3A_20, %tanh3A : vector<2048x64xf32>
    %mul3A_22 = arith.mulf %mul3A_21, %tanh3A : vector<2048x64xf32>
    %sub3A_23 = arith.constant 1.000000e+00 : f32
    %sub3A_24 = vector.broadcast %sub3A_23 : f32 to vector<2048x64xf32>
    %sub3A_25 = arith.subf %sub3A_24, %mul3A_22 : vector<2048x64xf32>
    %mul3A_26 = arith.mulf %sub3A_17, %sub3A_25 : vector<2048x64xf32>
    %get3A_27 = arith.constant 0 : index
    %get3A_28 = arith.constant 0 : index
    %get3A_29 = vector.load %arg10[%get3A_27, %get3A_28] : memref<64x32xf32, #tpu.memory_space<vmem>>, vector<64x32xf32>
    %dot_general3A_30 = arith.constant dense<0.000000e+00> : vector<2048x32xf32>
    %dot_general3A_31 = tpu.matmul %tanh3A, %get3A_29, %dot_general3A_30 {dimension_numbers = #tpu.dot_dimension_numbers<[1], [0], [0], [1], [0, 0, 1, 1], [], []>, transpose_lhs_hint = false} : vector<2048x64xf32>, vector<64x32xf32>, vector<2048x32xf32> -> vector<2048x32xf32>
    %get3A_32 = arith.constant 0 : index
    %get3A_33 = arith.constant 0 : index
    %get3A_34 = vector.load %arg11[%get3A_32, %get3A_33] : memref<64x32xf32, #tpu.memory_space<vmem>>, vector<64x32xf32>
    %dot_general3A_35 = arith.constant dense<0.000000e+00> : vector<2048x32xf32>
    %dot_general3A_36 = tpu.matmul %sub3A_17, %get3A_34, %dot_general3A_35 {dimension_numbers = #tpu.dot_dimension_numbers<[1], [0], [0], [1], [0, 0, 1, 1], [], []>, transpose_lhs_hint = false} : vector<2048x64xf32>, vector<64x32xf32>, vector<2048x32xf32> -> vector<2048x32xf32>
    %add3A_37 = arith.addf %dot_general3A_31, %dot_general3A_36 : vector<2048x32xf32>
    %get3A_38 = arith.constant 0 : index
    %get3A_39 = arith.constant 0 : index
    %get3A_40 = vector.load %arg12[%get3A_38, %get3A_39] : memref<64x32xf32, #tpu.memory_space<vmem>>, vector<64x32xf32>
    %dot_general3A_41 = arith.constant dense<0.000000e+00> : vector<2048x32xf32>
    %dot_general3A_42 = tpu.matmul %mul3A_18, %get3A_40, %dot_general3A_41 {dimension_numbers = #tpu.dot_dimension_numbers<[1], [0], [0], [1], [0, 0, 1, 1], [], []>, transpose_lhs_hint = false} : vector<2048x64xf32>, vector<64x32xf32>, vector<2048x32xf32> -> vector<2048x32xf32>
    %add3A_43 = arith.addf %add3A_37, %dot_general3A_42 : vector<2048x32xf32>
    %get3A_44 = arith.constant 0 : index
    %get3A_45 = arith.constant 0 : index
    %get3A_46 = vector.load %arg13[%get3A_44, %get3A_45] : memref<64x32xf32, #tpu.memory_space<vmem>>, vector<64x32xf32>
    %dot_general3A_47 = arith.constant dense<0.000000e+00> : vector<2048x32xf32>
    %dot_general3A_48 = tpu.matmul %mul3A_26, %get3A_46, %dot_general3A_47 {dimension_numbers = #tpu.dot_dimension_numbers<[1], [0], [0], [1], [0, 0, 1, 1], [], []>, transpose_lhs_hint = false} : vector<2048x64xf32>, vector<64x32xf32>, vector<2048x32xf32> -> vector<2048x32xf32>
    %add3A_49 = arith.addf %add3A_43, %dot_general3A_48 : vector<2048x32xf32>
    %get3A_50 = arith.constant 0 : index
    %get3A_51 = arith.constant 0 : index
    %get3A_52 = vector.load %arg14[%get3A_50, %get3A_51] : memref<1x32xf32, #tpu.memory_space<vmem>>, vector<1x32xf32>
    %add3A_53 = vector.broadcast %get3A_52 : vector<1x32xf32> to vector<2048x32xf32>
    %add3A_54 = arith.addf %add3A_49, %add3A_53 : vector<2048x32xf32>
    %slice3A = vector.extract_strided_slice %add3A_54 {offsets = [0, 0], sizes = [2048, 16], strides = [1, 1]} : vector<2048x32xf32> to vector<2048x16xf32>
    %swap3A = arith.constant 0 : index
    %swap3A_55 = arith.constant 0 : index
    %swap3A_56 = vector.load %arg15[%swap3A, %swap3A_55] : memref<2048x16xf32, #tpu.memory_space<vmem>>, vector<2048x16xf32>
    tpu.vector_store %arg15[%swap3A, %swap3A_55], %slice3A {strides = array<i32>} : memref<2048x16xf32, #tpu.memory_space<vmem>>, vector<2048x16xf32>,
    %slice3A_57 = vector.extract_strided_slice %add3A_54 {offsets = [0, 16], sizes = [2048, 8], strides = [1, 1]} : vector<2048x32xf32> to vector<2048x8xf32>
    %swap3A_58 = arith.constant 0 : index
    %swap3A_59 = arith.constant 0 : index
    %swap3A_60 = vector.load %arg16[%swap3A_58, %swap3A_59] : memref<2048x8xf32, #tpu.memory_space<vmem>>, vector<2048x8xf32>
    tpu.vector_store %arg16[%swap3A_58, %swap3A_59], %slice3A_57 {strides = array<i32>} : memref<2048x8xf32, #tpu.memory_space<vmem>>, vector<2048x8xf32>,
    %get3A_61 = arith.constant 0 : index
    %get3A_62 = arith.constant 0 : index
    %get3A_63 = vector.load %arg2[%get3A_61, %get3A_62] : memref<2048x4xi32, #tpu.memory_space<vmem>>, vector<2048x4xi32>
    %get3A_64 = arith.constant 0 : index
    %get3A_65 = arith.constant 0 : index
    %get3A_66 = vector.load %arg3[%get3A_64, %get3A_65] : memref<2048x4xi32, #tpu.memory_space<vmem>>, vector<2048x4xi32>
    %get3A_67 = arith.constant 0 : index
    %get3A_68 = arith.constant 0 : index
    %get3A_69 = vector.load %arg4[%get3A_67, %get3A_68] : memref<2048x4xf32, #tpu.memory_space<vmem>>, vector<2048x4xf32>
    %gt3A = arith.constant 5.000000e-01 : f32
    %gt3A_70 = vector.broadcast %gt3A : f32 to vector<2048x4xf32>
    %gt3A_71 = arith.cmpf ogt, %get3A_69, %gt3A_70 : vector<2048x4xf32>
    %shift_left3A = arith.constant 18 : i32
    %shift_left3A_72 = vector.broadcast %shift_left3A : i32 to vector<2048x4xi32>
    %shift_left3A_73 = arith.shli %get3A_66, %shift_left3A_72 : vector<2048x4xi32>
    %or3A = arith.ori %get3A_63, %shift_left3A_73 : vector<2048x4xi32>
    %jit3A = arith.constant -1 : i32
    %broadcast_in_dim3A = vector.broadcast %jit3A : i32 to vector<2048x4xi32>
    %select_n3A = arith.select %gt3A_71, %or3A, %broadcast_in_dim3A : vector<2048x4xi1>, vector<2048x4xi32>
    %swap3A_74 = arith.constant 0 : index
    %swap3A_75 = arith.constant 0 : index
    %swap3A_76 = vector.load %arg17[%swap3A_74, %swap3A_75] : memref<2048x4xi32, #tpu.memory_space<vmem>>, vector<2048x4xi32>
    tpu.vector_store %arg17[%swap3A_74, %swap3A_75], %select_n3A {strides = array<i32>} : memref<2048x4xi32, #tpu.memory_space<vmem>>, vector<2048x4xi32>,
    %get3A_77 = arith.constant 0 : index
    %get3A_78 = arith.constant 0 : index
    %get3A_79 = vector.load %arg5[%get3A_77, %get3A_78] : memref<2048x3xf32, #tpu.memory_space<vmem>>, vector<2048x3xf32>
    %slice3A_80 = vector.extract_strided_slice %slice3A {offsets = [0, 0], sizes = [2048, 1], strides = [1, 1]} : vector<2048x16xf32> to vector<2048x1xf32>
    %slice3A_81 = vector.extract_strided_slice %slice3A {offsets = [0, 4], sizes = [2048, 1], strides = [1, 1]} : vector<2048x16xf32> to vector<2048x1xf32>
    %add3A_82 = arith.addf %slice3A_80, %slice3A_81 : vector<2048x1xf32>
    %slice3A_83 = vector.extract_strided_slice %slice3A {offsets = [0, 8], sizes = [2048, 1], strides = [1, 1]} : vector<2048x16xf32> to vector<2048x1xf32>
    %add3A_84 = arith.addf %add3A_82, %slice3A_83 : vector<2048x1xf32>
    %slice3A_85 = vector.extract_strided_slice %slice3A {offsets = [0, 12], sizes = [2048, 1], strides = [1, 1]} : vector<2048x16xf32> to vector<2048x1xf32>
    %add3A_86 = arith.addf %add3A_84, %slice3A_85 : vector<2048x1xf32>
    %slice3A_87 = vector.extract_strided_slice %get3A_79 {offsets = [0, 0], sizes = [2048, 1], strides = [1, 1]} : vector<2048x3xf32> to vector<2048x1xf32>
    %sub3A_88 = arith.subf %add3A_86, %slice3A_87 : vector<2048x1xf32>
    %slice3A_89 = vector.extract_strided_slice %slice3A {offsets = [0, 1], sizes = [2048, 1], strides = [1, 1]} : vector<2048x16xf32> to vector<2048x1xf32>
    %slice3A_90 = vector.extract_strided_slice %slice3A {offsets = [0, 5], sizes = [2048, 1], strides = [1, 1]} : vector<2048x16xf32> to vector<2048x1xf32>
    %add3A_91 = arith.addf %slice3A_89, %slice3A_90 : vector<2048x1xf32>
    %slice3A_92 = vector.extract_strided_slice %slice3A {offsets = [0, 9], sizes = [2048, 1], strides = [1, 1]} : vector<2048x16xf32> to vector<2048x1xf32>
    %add3A_93 = arith.addf %add3A_91, %slice3A_92 : vector<2048x1xf32>
    %slice3A_94 = vector.extract_strided_slice %slice3A {offsets = [0, 13], sizes = [2048, 1], strides = [1, 1]} : vector<2048x16xf32> to vector<2048x1xf32>
    %add3A_95 = arith.addf %add3A_93, %slice3A_94 : vector<2048x1xf32>
    %slice3A_96 = vector.extract_strided_slice %get3A_79 {offsets = [0, 1], sizes = [2048, 1], strides = [1, 1]} : vector<2048x3xf32> to vector<2048x1xf32>
    %sub3A_97 = arith.subf %add3A_95, %slice3A_96 : vector<2048x1xf32>
    %slice3A_98 = vector.extract_strided_slice %slice3A {offsets = [0, 2], sizes = [2048, 1], strides = [1, 1]} : vector<2048x16xf32> to vector<2048x1xf32>
    %slice3A_99 = vector.extract_strided_slice %slice3A {offsets = [0, 6], sizes = [2048, 1], strides = [1, 1]} : vector<2048x16xf32> to vector<2048x1xf32>
    %add3A_100 = arith.addf %slice3A_98, %slice3A_99 : vector<2048x1xf32>
    %slice3A_101 = vector.extract_strided_slice %slice3A {offsets = [0, 10], sizes = [2048, 1], strides = [1, 1]} : vector<2048x16xf32> to vector<2048x1xf32>
    %add3A_102 = arith.addf %add3A_100, %slice3A_101 : vector<2048x1xf32>
    %slice3A_103 = vector.extract_strided_slice %slice3A {offsets = [0, 14], sizes = [2048, 1], strides = [1, 1]} : vector<2048x16xf32> to vector<2048x1xf32>
    %add3A_104 = arith.addf %add3A_102, %slice3A_103 : vector<2048x1xf32>
    %slice3A_105 = vector.extract_strided_slice %get3A_79 {offsets = [0, 2], sizes = [2048, 1], strides = [1, 1]} : vector<2048x3xf32> to vector<2048x1xf32>
    %sub3A_106 = arith.subf %add3A_104, %slice3A_105 : vector<2048x1xf32>
    %mul3A_107 = arith.mulf %sub3A_88, %sub3A_88 : vector<2048x1xf32>
    %mul3A_108 = arith.mulf %sub3A_97, %sub3A_97 : vector<2048x1xf32>
    %add3A_109 = arith.addf %mul3A_107, %mul3A_108 : vector<2048x1xf32>
    %mul3A_110 = arith.mulf %sub3A_106, %sub3A_106 : vector<2048x1xf32>
    %add3A_111 = arith.addf %add3A_109, %mul3A_110 : vector<2048x1xf32>
    %get3A_112 = arith.constant 0 : index
    %get3A_113 = arith.constant 0 : index
    %get3A_114 = vector.load %arg6[%get3A_112, %get3A_113] : memref<2048x1xf32, #tpu.memory_space<vmem>>, vector<2048x1xf32>
    %get3A_115 = arith.constant 0 : index
    %get3A_116 = arith.constant 0 : index
    %get3A_117 = vector.load %arg7[%get3A_115, %get3A_116] : memref<2048x1xf32, #tpu.memory_space<vmem>>, vector<2048x1xf32>
    %lt3A_118 = arith.constant 5.000000e-01 : f32
    %lt3A_119 = vector.broadcast %lt3A_118 : f32 to vector<2048x1xf32>
    %lt3A_120 = arith.cmpf olt, %get3A_114, %lt3A_119 : vector<2048x1xf32>
    %and3A = arith.andi %lt3A_3, %lt3A_120 : vector<2048x1xi1>
    %jit3A_121 = arith.constant 0.000000e+00 : f32
    %broadcast_in_dim3A_122 = vector.broadcast %jit3A_121 : f32 to vector<2048x1xf32>
    %select_n3A_123 = arith.select %and3A, %add3A_111, %broadcast_in_dim3A_122 : vector<2048x1xi1>, vector<2048x1xf32>
    %reduce_sum3A = vector.shape_cast %select_n3A_123 : vector<2048x1xf32> to vector<1x2048x1xf32>
    %reduce_sum3A_124 = arith.constant dense<0.000000e+00> : vector<1xf32>
    %reduce_sum3A_125 = vector.multi_reduction <add>, %reduce_sum3A, %reduce_sum3A_124 [1, 2] : vector<1x2048x1xf32> to vector<1xf32>
    %reduce_sum3A_126 = vector.shape_cast %reduce_sum3A_125 : vector<1xf32> to vector<1x1x1xf32>
    %reduce_sum3A_127 = vector.extract %reduce_sum3A_126[0, 0, 0] : f32 from vector<1x1x1xf32>
    %jit3A_128 = arith.constant 1.000000e+00 : f32
    %jit3A_129 = arith.constant 0.000000e+00 : f32
    %broadcast_in_dim3A_130 = vector.broadcast %jit3A_128 : f32 to vector<2048x1xf32>
    %broadcast_in_dim3A_131 = vector.broadcast %jit3A_129 : f32 to vector<2048x1xf32>
    %select_n3A_132 = arith.select %and3A, %broadcast_in_dim3A_130, %broadcast_in_dim3A_131 : vector<2048x1xi1>, vector<2048x1xf32>
    %reduce_sum3A_133 = vector.shape_cast %select_n3A_132 : vector<2048x1xf32> to vector<1x2048x1xf32>
    %reduce_sum3A_134 = arith.constant dense<0.000000e+00> : vector<1xf32>
    %reduce_sum3A_135 = vector.multi_reduction <add>, %reduce_sum3A_133, %reduce_sum3A_134 [1, 2] : vector<1x2048x1xf32> to vector<1xf32>
    %reduce_sum3A_136 = vector.shape_cast %reduce_sum3A_135 : vector<1xf32> to vector<1x1x1xf32>
    %reduce_sum3A_137 = vector.extract %reduce_sum3A_136[0, 0, 0] : f32 from vector<1x1x1xf32>
    %slice3A_138 = vector.extract_strided_slice %slice3A {offsets = [0, 0], sizes = [2048, 1], strides = [1, 1]} : vector<2048x16xf32> to vector<2048x1xf32>
    %integer_pow3A = arith.mulf %slice3A_138, %slice3A_138 : vector<2048x1xf32>
    %slice3A_139 = vector.extract_strided_slice %slice3A {offsets = [0, 1], sizes = [2048, 1], strides = [1, 1]} : vector<2048x16xf32> to vector<2048x1xf32>
    %integer_pow3A_140 = arith.mulf %slice3A_139, %slice3A_139 : vector<2048x1xf32>
    %add3A_141 = arith.addf %integer_pow3A, %integer_pow3A_140 : vector<2048x1xf32>
    %slice3A_142 = vector.extract_strided_slice %slice3A {offsets = [0, 2], sizes = [2048, 1], strides = [1, 1]} : vector<2048x16xf32> to vector<2048x1xf32>
    %integer_pow3A_143 = arith.mulf %slice3A_142, %slice3A_142 : vector<2048x1xf32>
    %add3A_144 = arith.addf %add3A_141, %integer_pow3A_143 : vector<2048x1xf32>
    %slice3A_145 = vector.extract_strided_slice %get3A_69 {offsets = [0, 0], sizes = [2048, 1], strides = [1, 1]} : vector<2048x4xf32> to vector<2048x1xf32>
    %lt3A_146 = arith.constant 5.000000e-01 : f32
    %lt3A_147 = vector.broadcast %lt3A_146 : f32 to vector<2048x1xf32>
    %lt3A_148 = arith.cmpf olt, %slice3A_145, %lt3A_147 : vector<2048x1xf32>
    %and3A_149 = arith.andi %lt3A_3, %lt3A_148 : vector<2048x1xi1>
    %jit3A_150 = arith.constant 0.000000e+00 : f32
    %broadcast_in_dim3A_151 = vector.broadcast %jit3A_150 : f32 to vector<2048x1xf32>
    %select_n3A_152 = arith.select %and3A_149, %add3A_144, %broadcast_in_dim3A_151 : vector<2048x1xi1>, vector<2048x1xf32>
    %reduce_sum3A_153 = vector.shape_cast %select_n3A_152 : vector<2048x1xf32> to vector<1x2048x1xf32>
    %reduce_sum3A_154 = arith.constant dense<0.000000e+00> : vector<1xf32>
    %reduce_sum3A_155 = vector.multi_reduction <add>, %reduce_sum3A_153, %reduce_sum3A_154 [1, 2] : vector<1x2048x1xf32> to vector<1xf32>
    %reduce_sum3A_156 = vector.shape_cast %reduce_sum3A_155 : vector<1xf32> to vector<1x1x1xf32>
    %reduce_sum3A_157 = vector.extract %reduce_sum3A_156[0, 0, 0] : f32 from vector<1x1x1xf32>
    %add3A_158 = arith.constant 0.000000e+00 : f32
    %add3A_159 = arith.addf %add3A_158, %reduce_sum3A_157 : f32
    %jit3A_160 = arith.constant 1.000000e+00 : f32
    %jit3A_161 = arith.constant 0.000000e+00 : f32
    %broadcast_in_dim3A_162 = vector.broadcast %jit3A_160 : f32 to vector<2048x1xf32>
    %broadcast_in_dim3A_163 = vector.broadcast %jit3A_161 : f32 to vector<2048x1xf32>
    %select_n3A_164 = arith.select %and3A_149, %broadcast_in_dim3A_162, %broadcast_in_dim3A_163 : vector<2048x1xi1>, vector<2048x1xf32>
    %reduce_sum3A_165 = vector.shape_cast %select_n3A_164 : vector<2048x1xf32> to vector<1x2048x1xf32>
    %reduce_sum3A_166 = arith.constant dense<0.000000e+00> : vector<1xf32>
    %reduce_sum3A_167 = vector.multi_reduction <add>, %reduce_sum3A_165, %reduce_sum3A_166 [1, 2] : vector<1x2048x1xf32> to vector<1xf32>
    %reduce_sum3A_168 = vector.shape_cast %reduce_sum3A_167 : vector<1xf32> to vector<1x1x1xf32>
    %reduce_sum3A_169 = vector.extract %reduce_sum3A_168[0, 0, 0] : f32 from vector<1x1x1xf32>
    %add3A_170 = arith.constant 0.000000e+00 : f32
    %add3A_171 = arith.addf %add3A_170, %reduce_sum3A_169 : f32
    %slice3A_172 = vector.extract_strided_slice %slice3A {offsets = [0, 4], sizes = [2048, 1], strides = [1, 1]} : vector<2048x16xf32> to vector<2048x1xf32>
    %integer_pow3A_173 = arith.mulf %slice3A_172, %slice3A_172 : vector<2048x1xf32>
    %slice3A_174 = vector.extract_strided_slice %slice3A {offsets = [0, 5], sizes = [2048, 1], strides = [1, 1]} : vector<2048x16xf32> to vector<2048x1xf32>
    %integer_pow3A_175 = arith.mulf %slice3A_174, %slice3A_174 : vector<2048x1xf32>
    %add3A_176 = arith.addf %integer_pow3A_173, %integer_pow3A_175 : vector<2048x1xf32>
    %slice3A_177 = vector.extract_strided_slice %slice3A {offsets = [0, 6], sizes = [2048, 1], strides = [1, 1]} : vector<2048x16xf32> to vector<2048x1xf32>
    %integer_pow3A_178 = arith.mulf %slice3A_177, %slice3A_177 : vector<2048x1xf32>
    %add3A_179 = arith.addf %add3A_176, %integer_pow3A_178 : vector<2048x1xf32>
    %slice3A_180 = vector.extract_strided_slice %get3A_69 {offsets = [0, 1], sizes = [2048, 1], strides = [1, 1]} : vector<2048x4xf32> to vector<2048x1xf32>
    %lt3A_181 = arith.constant 5.000000e-01 : f32
    %lt3A_182 = vector.broadcast %lt3A_181 : f32 to vector<2048x1xf32>
    %lt3A_183 = arith.cmpf olt, %slice3A_180, %lt3A_182 : vector<2048x1xf32>
    %and3A_184 = arith.andi %lt3A_3, %lt3A_183 : vector<2048x1xi1>
    %jit3A_185 = arith.constant 0.000000e+00 : f32
    %broadcast_in_dim3A_186 = vector.broadcast %jit3A_185 : f32 to vector<2048x1xf32>
    %select_n3A_187 = arith.select %and3A_184, %add3A_179, %broadcast_in_dim3A_186 : vector<2048x1xi1>, vector<2048x1xf32>
    %reduce_sum3A_188 = vector.shape_cast %select_n3A_187 : vector<2048x1xf32> to vector<1x2048x1xf32>
    %reduce_sum3A_189 = arith.constant dense<0.000000e+00> : vector<1xf32>
    %reduce_sum3A_190 = vector.multi_reduction <add>, %reduce_sum3A_188, %reduce_sum3A_189 [1, 2] : vector<1x2048x1xf32> to vector<1xf32>
    %reduce_sum3A_191 = vector.shape_cast %reduce_sum3A_190 : vector<1xf32> to vector<1x1x1xf32>
    %reduce_sum3A_192 = vector.extract %reduce_sum3A_191[0, 0, 0] : f32 from vector<1x1x1xf32>
    %add3A_193 = arith.addf %add3A_159, %reduce_sum3A_192 : f32
    %jit3A_194 = arith.constant 1.000000e+00 : f32
    %jit3A_195 = arith.constant 0.000000e+00 : f32
    %broadcast_in_dim3A_196 = vector.broadcast %jit3A_194 : f32 to vector<2048x1xf32>
    %broadcast_in_dim3A_197 = vector.broadcast %jit3A_195 : f32 to vector<2048x1xf32>
    %select_n3A_198 = arith.select %and3A_184, %broadcast_in_dim3A_196, %broadcast_in_dim3A_197 : vector<2048x1xi1>, vector<2048x1xf32>
    %reduce_sum3A_199 = vector.shape_cast %select_n3A_198 : vector<2048x1xf32> to vector<1x2048x1xf32>
    %reduce_sum3A_200 = arith.constant dense<0.000000e+00> : vector<1xf32>
    %reduce_sum3A_201 = vector.multi_reduction <add>, %reduce_sum3A_199, %reduce_sum3A_200 [1, 2] : vector<1x2048x1xf32> to vector<1xf32>
    %reduce_sum3A_202 = vector.shape_cast %reduce_sum3A_201 : vector<1xf32> to vector<1x1x1xf32>
    %reduce_sum3A_203 = vector.extract %reduce_sum3A_202[0, 0, 0] : f32 from vector<1x1x1xf32>
    %add3A_204 = arith.addf %add3A_171, %reduce_sum3A_203 : f32
    %slice3A_205 = vector.extract_strided_slice %slice3A {offsets = [0, 8], sizes = [2048, 1], strides = [1, 1]} : vector<2048x16xf32> to vector<2048x1xf32>
    %integer_pow3A_206 = arith.mulf %slice3A_205, %slice3A_205 : vector<2048x1xf32>
    %slice3A_207 = vector.extract_strided_slice %slice3A {offsets = [0, 9], sizes = [2048, 1], strides = [1, 1]} : vector<2048x16xf32> to vector<2048x1xf32>
    %integer_pow3A_208 = arith.mulf %slice3A_207, %slice3A_207 : vector<2048x1xf32>
    %add3A_209 = arith.addf %integer_pow3A_206, %integer_pow3A_208 : vector<2048x1xf32>
    %slice3A_210 = vector.extract_strided_slice %slice3A {offsets = [0, 10], sizes = [2048, 1], strides = [1, 1]} : vector<2048x16xf32> to vector<2048x1xf32>
    %integer_pow3A_211 = arith.mulf %slice3A_210, %slice3A_210 : vector<2048x1xf32>
    %add3A_212 = arith.addf %add3A_209, %integer_pow3A_211 : vector<2048x1xf32>
    %slice3A_213 = vector.extract_strided_slice %get3A_69 {offsets = [0, 2], sizes = [2048, 1], strides = [1, 1]} : vector<2048x4xf32> to vector<2048x1xf32>
    %lt3A_214 = arith.constant 5.000000e-01 : f32
    %lt3A_215 = vector.broadcast %lt3A_214 : f32 to vector<2048x1xf32>
    %lt3A_216 = arith.cmpf olt, %slice3A_213, %lt3A_215 : vector<2048x1xf32>
    %and3A_217 = arith.andi %lt3A_3, %lt3A_216 : vector<2048x1xi1>
    %jit3A_218 = arith.constant 0.000000e+00 : f32
    %broadcast_in_dim3A_219 = vector.broadcast %jit3A_218 : f32 to vector<2048x1xf32>
    %select_n3A_220 = arith.select %and3A_217, %add3A_212, %broadcast_in_dim3A_219 : vector<2048x1xi1>, vector<2048x1xf32>
    %reduce_sum3A_221 = vector.shape_cast %select_n3A_220 : vector<2048x1xf32> to vector<1x2048x1xf32>
    %reduce_sum3A_222 = arith.constant dense<0.000000e+00> : vector<1xf32>
    %reduce_sum3A_223 = vector.multi_reduction <add>, %reduce_sum3A_221, %reduce_sum3A_222 [1, 2] : vector<1x2048x1xf32> to vector<1xf32>
    %reduce_sum3A_224 = vector.shape_cast %reduce_sum3A_223 : vector<1xf32> to vector<1x1x1xf32>
    %reduce_sum3A_225 = vector.extract %reduce_sum3A_224[0, 0, 0] : f32 from vector<1x1x1xf32>
    %add3A_226 = arith.addf %add3A_193, %reduce_sum3A_225 : f32
    %jit3A_227 = arith.constant 1.000000e+00 : f32
    %jit3A_228 = arith.constant 0.000000e+00 : f32
    %broadcast_in_dim3A_229 = vector.broadcast %jit3A_227 : f32 to vector<2048x1xf32>
    %broadcast_in_dim3A_230 = vector.broadcast %jit3A_228 : f32 to vector<2048x1xf32>
    %select_n3A_231 = arith.select %and3A_217, %broadcast_in_dim3A_229, %broadcast_in_dim3A_230 : vector<2048x1xi1>, vector<2048x1xf32>
    %reduce_sum3A_232 = vector.shape_cast %select_n3A_231 : vector<2048x1xf32> to vector<1x2048x1xf32>
    %reduce_sum3A_233 = arith.constant dense<0.000000e+00> : vector<1xf32>
    %reduce_sum3A_234 = vector.multi_reduction <add>, %reduce_sum3A_232, %reduce_sum3A_233 [1, 2] : vector<1x2048x1xf32> to vector<1xf32>
    %reduce_sum3A_235 = vector.shape_cast %reduce_sum3A_234 : vector<1xf32> to vector<1x1x1xf32>
    %reduce_sum3A_236 = vector.extract %reduce_sum3A_235[0, 0, 0] : f32 from vector<1x1x1xf32>
    %add3A_237 = arith.addf %add3A_204, %reduce_sum3A_236 : f32
    %slice3A_238 = vector.extract_strided_slice %slice3A {offsets = [0, 12], sizes = [2048, 1], strides = [1, 1]} : vector<2048x16xf32> to vector<2048x1xf32>
    %integer_pow3A_239 = arith.mulf %slice3A_238, %slice3A_238 : vector<2048x1xf32>
    %slice3A_240 = vector.extract_strided_slice %slice3A {offsets = [0, 13], sizes = [2048, 1], strides = [1, 1]} : vector<2048x16xf32> to vector<2048x1xf32>
    %integer_pow3A_241 = arith.mulf %slice3A_240, %slice3A_240 : vector<2048x1xf32>
    %add3A_242 = arith.addf %integer_pow3A_239, %integer_pow3A_241 : vector<2048x1xf32>
    %slice3A_243 = vector.extract_strided_slice %slice3A {offsets = [0, 14], sizes = [2048, 1], strides = [1, 1]} : vector<2048x16xf32> to vector<2048x1xf32>
    %integer_pow3A_244 = arith.mulf %slice3A_243, %slice3A_243 : vector<2048x1xf32>
    %add3A_245 = arith.addf %add3A_242, %integer_pow3A_244 : vector<2048x1xf32>
    %slice3A_246 = vector.extract_strided_slice %get3A_69 {offsets = [0, 3], sizes = [2048, 1], strides = [1, 1]} : vector<2048x4xf32> to vector<2048x1xf32>
    %lt3A_247 = arith.constant 5.000000e-01 : f32
    %lt3A_248 = vector.broadcast %lt3A_247 : f32 to vector<2048x1xf32>
    %lt3A_249 = arith.cmpf olt, %slice3A_246, %lt3A_248 : vector<2048x1xf32>
    %and3A_250 = arith.andi %lt3A_3, %lt3A_249 : vector<2048x1xi1>
    %jit3A_251 = arith.constant 0.000000e+00 : f32
    %broadcast_in_dim3A_252 = vector.broadcast %jit3A_251 : f32 to vector<2048x1xf32>
    %select_n3A_253 = arith.select %and3A_250, %add3A_245, %broadcast_in_dim3A_252 : vector<2048x1xi1>, vector<2048x1xf32>
    %reduce_sum3A_254 = vector.shape_cast %select_n3A_253 : vector<2048x1xf32> to vector<1x2048x1xf32>
    %reduce_sum3A_255 = arith.constant dense<0.000000e+00> : vector<1xf32>
    %reduce_sum3A_256 = vector.multi_reduction <add>, %reduce_sum3A_254, %reduce_sum3A_255 [1, 2] : vector<1x2048x1xf32> to vector<1xf32>
    %reduce_sum3A_257 = vector.shape_cast %reduce_sum3A_256 : vector<1xf32> to vector<1x1x1xf32>
    %reduce_sum3A_258 = vector.extract %reduce_sum3A_257[0, 0, 0] : f32 from vector<1x1x1xf32>
    %add3A_259 = arith.addf %add3A_226, %reduce_sum3A_258 : f32
    %jit3A_260 = arith.constant 1.000000e+00 : f32
    %jit3A_261 = arith.constant 0.000000e+00 : f32
    %broadcast_in_dim3A_262 = vector.broadcast %jit3A_260 : f32 to vector<2048x1xf32>
    %broadcast_in_dim3A_263 = vector.broadcast %jit3A_261 : f32 to vector<2048x1xf32>
    %select_n3A_264 = arith.select %and3A_250, %broadcast_in_dim3A_262, %broadcast_in_dim3A_263 : vector<2048x1xi1>, vector<2048x1xf32>
    %reduce_sum3A_265 = vector.shape_cast %select_n3A_264 : vector<2048x1xf32> to vector<1x2048x1xf32>
    %reduce_sum3A_266 = arith.constant dense<0.000000e+00> : vector<1xf32>
    %reduce_sum3A_267 = vector.multi_reduction <add>, %reduce_sum3A_265, %reduce_sum3A_266 [1, 2] : vector<1x2048x1xf32> to vector<1xf32>
    %reduce_sum3A_268 = vector.shape_cast %reduce_sum3A_267 : vector<1xf32> to vector<1x1x1xf32>
    %reduce_sum3A_269 = vector.extract %reduce_sum3A_268[0, 0, 0] : f32 from vector<1x1x1xf32>
    %add3A_270 = arith.addf %add3A_237, %reduce_sum3A_269 : f32
    %slice3A_271 = vector.extract_strided_slice %add3A_54 {offsets = [0, 24], sizes = [2048, 1], strides = [1, 1]} : vector<2048x32xf32> to vector<2048x1xf32>
    %slice3A_272 = vector.extract_strided_slice %add3A_54 {offsets = [0, 25], sizes = [2048, 1], strides = [1, 1]} : vector<2048x32xf32> to vector<2048x1xf32>
    %slice3A_273 = vector.extract_strided_slice %add3A_54 {offsets = [0, 26], sizes = [2048, 1], strides = [1, 1]} : vector<2048x32xf32> to vector<2048x1xf32>
    %gt3A_274 = arith.constant 5.000000e-01 : f32
    %gt3A_275 = vector.broadcast %gt3A_274 : f32 to vector<2048x1xf32>
    %gt3A_276 = arith.cmpf ogt, %get3A_114, %gt3A_275 : vector<2048x1xf32>
    %and3A_277 = arith.andi %lt3A_3, %gt3A_276 : vector<2048x1xi1>
    %gt3A_278 = arith.constant 5.000000e-01 : f32
    %gt3A_279 = vector.broadcast %gt3A_278 : f32 to vector<2048x1xf32>
    %gt3A_280 = arith.cmpf ogt, %get3A_117, %gt3A_279 : vector<2048x1xf32>
    %and3A_281 = arith.andi %lt3A_3, %gt3A_280 : vector<2048x1xi1>
    %mul3A_282 = arith.mulf %slice3A_271, %slice3A_271 : vector<2048x1xf32>
    %jit3A_283 = arith.constant 0.000000e+00 : f32
    %broadcast_in_dim3A_284 = vector.broadcast %jit3A_283 : f32 to vector<2048x1xf32>
    %select_n3A_285 = arith.select %and3A_277, %mul3A_282, %broadcast_in_dim3A_284 : vector<2048x1xi1>, vector<2048x1xf32>
    %reduce_sum3A_286 = vector.shape_cast %select_n3A_285 : vector<2048x1xf32> to vector<1x2048x1xf32>
    %reduce_sum3A_287 = arith.constant dense<0.000000e+00> : vector<1xf32>
    %reduce_sum3A_288 = vector.multi_reduction <add>, %reduce_sum3A_286, %reduce_sum3A_287 [1, 2] : vector<1x2048x1xf32> to vector<1xf32>
    %reduce_sum3A_289 = vector.shape_cast %reduce_sum3A_288 : vector<1xf32> to vector<1x1x1xf32>
    %reduce_sum3A_290 = vector.extract %reduce_sum3A_289[0, 0, 0] : f32 from vector<1x1x1xf32>
    %mul3A_291 = arith.mulf %slice3A_272, %slice3A_272 : vector<2048x1xf32>
    %jit3A_292 = arith.constant 0.000000e+00 : f32
    %broadcast_in_dim3A_293 = vector.broadcast %jit3A_292 : f32 to vector<2048x1xf32>
    %select_n3A_294 = arith.select %and3A_277, %mul3A_291, %broadcast_in_dim3A_293 : vector<2048x1xi1>, vector<2048x1xf32>
    %reduce_sum3A_295 = vector.shape_cast %select_n3A_294 : vector<2048x1xf32> to vector<1x2048x1xf32>
    %reduce_sum3A_296 = arith.constant dense<0.000000e+00> : vector<1xf32>
    %reduce_sum3A_297 = vector.multi_reduction <add>, %reduce_sum3A_295, %reduce_sum3A_296 [1, 2] : vector<1x2048x1xf32> to vector<1xf32>
    %reduce_sum3A_298 = vector.shape_cast %reduce_sum3A_297 : vector<1xf32> to vector<1x1x1xf32>
    %reduce_sum3A_299 = vector.extract %reduce_sum3A_298[0, 0, 0] : f32 from vector<1x1x1xf32>
    %jit3A_300 = arith.constant 1.000000e+00 : f32
    %jit3A_301 = arith.constant 0.000000e+00 : f32
    %broadcast_in_dim3A_302 = vector.broadcast %jit3A_300 : f32 to vector<2048x1xf32>
    %broadcast_in_dim3A_303 = vector.broadcast %jit3A_301 : f32 to vector<2048x1xf32>
    %select_n3A_304 = arith.select %and3A_277, %broadcast_in_dim3A_302, %broadcast_in_dim3A_303 : vector<2048x1xi1>, vector<2048x1xf32>
    %reduce_sum3A_305 = vector.shape_cast %select_n3A_304 : vector<2048x1xf32> to vector<1x2048x1xf32>
    %reduce_sum3A_306 = arith.constant dense<0.000000e+00> : vector<1xf32>
    %reduce_sum3A_307 = vector.multi_reduction <add>, %reduce_sum3A_305, %reduce_sum3A_306 [1, 2] : vector<1x2048x1xf32> to vector<1xf32>
    %reduce_sum3A_308 = vector.shape_cast %reduce_sum3A_307 : vector<1xf32> to vector<1x1x1xf32>
    %reduce_sum3A_309 = vector.extract %reduce_sum3A_308[0, 0, 0] : f32 from vector<1x1x1xf32>
    %mul3A_310 = arith.mulf %slice3A_273, %slice3A_273 : vector<2048x1xf32>
    %jit3A_311 = arith.constant 0.000000e+00 : f32
    %broadcast_in_dim3A_312 = vector.broadcast %jit3A_311 : f32 to vector<2048x1xf32>
    %select_n3A_313 = arith.select %and3A_281, %mul3A_310, %broadcast_in_dim3A_312 : vector<2048x1xi1>, vector<2048x1xf32>
    %reduce_sum3A_314 = vector.shape_cast %select_n3A_313 : vector<2048x1xf32> to vector<1x2048x1xf32>
    %reduce_sum3A_315 = arith.constant dense<0.000000e+00> : vector<1xf32>
    %reduce_sum3A_316 = vector.multi_reduction <add>, %reduce_sum3A_314, %reduce_sum3A_315 [1, 2] : vector<1x2048x1xf32> to vector<1xf32>
    %reduce_sum3A_317 = vector.shape_cast %reduce_sum3A_316 : vector<1xf32> to vector<1x1x1xf32>
    %reduce_sum3A_318 = vector.extract %reduce_sum3A_317[0, 0, 0] : f32 from vector<1x1x1xf32>
    %jit3A_319 = arith.constant 1.000000e+00 : f32
    %jit3A_320 = arith.constant 0.000000e+00 : f32
    %broadcast_in_dim3A_321 = vector.broadcast %jit3A_319 : f32 to vector<2048x1xf32>
    %broadcast_in_dim3A_322 = vector.broadcast %jit3A_320 : f32 to vector<2048x1xf32>
    %select_n3A_323 = arith.select %and3A_281, %broadcast_in_dim3A_321, %broadcast_in_dim3A_322 : vector<2048x1xi1>, vector<2048x1xf32>
    %reduce_sum3A_324 = vector.shape_cast %select_n3A_323 : vector<2048x1xf32> to vector<1x2048x1xf32>
    %reduce_sum3A_325 = arith.constant dense<0.000000e+00> : vector<1xf32>
    %reduce_sum3A_326 = vector.multi_reduction <add>, %reduce_sum3A_324, %reduce_sum3A_325 [1, 2] : vector<1x2048x1xf32> to vector<1xf32>
    %reduce_sum3A_327 = vector.shape_cast %reduce_sum3A_326 : vector<1xf32> to vector<1x1x1xf32>
    %reduce_sum3A_328 = vector.extract %reduce_sum3A_327[0, 0, 0] : f32 from vector<1x1x1xf32>
    %iota3A_329 = tpu.iota {dimensions = array<i32: 0>} : vector<8x128xi32>
    %iota3A_330 = tpu.iota {dimensions = array<i32: 1>} : vector<8x128xi32>
    %broadcast_in_dim3A_331 = arith.constant 0.000000e+00 : f32
    %broadcast_in_dim3A_332 = vector.broadcast %broadcast_in_dim3A_331 : f32 to vector<8x128xf32>
    %eq3A = arith.constant 0 : i32
    %eq3A_333 = vector.broadcast %eq3A : i32 to vector<8x128xi32>
    %eq3A_334 = arith.cmpi eq, %iota3A_329, %eq3A_333 : vector<8x128xi32>
    %eq3A_335 = arith.constant 0 : i32
    %eq3A_336 = vector.broadcast %eq3A_335 : i32 to vector<8x128xi32>
    %eq3A_337 = arith.cmpi eq, %iota3A_330, %eq3A_336 : vector<8x128xi32>
    %and3A_338 = arith.andi %eq3A_334, %eq3A_337 : vector<8x128xi1>
    %jit3A_339 = arith.constant 0.000000e+00 : f32
    %broadcast_in_dim3A_340 = vector.broadcast %reduce_sum3A_127 : f32 to vector<8x128xf32>
    %broadcast_in_dim3A_341 = vector.broadcast %jit3A_339 : f32 to vector<8x128xf32>
    %select_n3A_342 = arith.select %and3A_338, %broadcast_in_dim3A_340, %broadcast_in_dim3A_341 : vector<8x128xi1>, vector<8x128xf32>
    %add3A_343 = arith.addf %broadcast_in_dim3A_332, %select_n3A_342 : vector<8x128xf32>
    %eq3A_344 = arith.constant 0 : i32
    %eq3A_345 = vector.broadcast %eq3A_344 : i32 to vector<8x128xi32>
    %eq3A_346 = arith.cmpi eq, %iota3A_329, %eq3A_345 : vector<8x128xi32>
    %eq3A_347 = arith.constant 1 : i32
    %eq3A_348 = vector.broadcast %eq3A_347 : i32 to vector<8x128xi32>
    %eq3A_349 = arith.cmpi eq, %iota3A_330, %eq3A_348 : vector<8x128xi32>
    %and3A_350 = arith.andi %eq3A_346, %eq3A_349 : vector<8x128xi1>
    %jit3A_351 = arith.constant 0.000000e+00 : f32
    %broadcast_in_dim3A_352 = vector.broadcast %reduce_sum3A_137 : f32 to vector<8x128xf32>
    %broadcast_in_dim3A_353 = vector.broadcast %jit3A_351 : f32 to vector<8x128xf32>
    %select_n3A_354 = arith.select %and3A_350, %broadcast_in_dim3A_352, %broadcast_in_dim3A_353 : vector<8x128xi1>, vector<8x128xf32>
    %add3A_355 = arith.addf %add3A_343, %select_n3A_354 : vector<8x128xf32>
    %eq3A_356 = arith.constant 0 : i32
    %eq3A_357 = vector.broadcast %eq3A_356 : i32 to vector<8x128xi32>
    %eq3A_358 = arith.cmpi eq, %iota3A_329, %eq3A_357 : vector<8x128xi32>
    %eq3A_359 = arith.constant 2 : i32
    %eq3A_360 = vector.broadcast %eq3A_359 : i32 to vector<8x128xi32>
    %eq3A_361 = arith.cmpi eq, %iota3A_330, %eq3A_360 : vector<8x128xi32>
    %and3A_362 = arith.andi %eq3A_358, %eq3A_361 : vector<8x128xi1>
    %jit3A_363 = arith.constant 0.000000e+00 : f32
    %broadcast_in_dim3A_364 = vector.broadcast %add3A_259 : f32 to vector<8x128xf32>
    %broadcast_in_dim3A_365 = vector.broadcast %jit3A_363 : f32 to vector<8x128xf32>
    %select_n3A_366 = arith.select %and3A_362, %broadcast_in_dim3A_364, %broadcast_in_dim3A_365 : vector<8x128xi1>, vector<8x128xf32>
    %add3A_367 = arith.addf %add3A_355, %select_n3A_366 : vector<8x128xf32>
    %eq3A_368 = arith.constant 0 : i32
    %eq3A_369 = vector.broadcast %eq3A_368 : i32 to vector<8x128xi32>
    %eq3A_370 = arith.cmpi eq, %iota3A_329, %eq3A_369 : vector<8x128xi32>
    %eq3A_371 = arith.constant 3 : i32
    %eq3A_372 = vector.broadcast %eq3A_371 : i32 to vector<8x128xi32>
    %eq3A_373 = arith.cmpi eq, %iota3A_330, %eq3A_372 : vector<8x128xi32>
    %and3A_374 = arith.andi %eq3A_370, %eq3A_373 : vector<8x128xi1>
    %jit3A_375 = arith.constant 0.000000e+00 : f32
    %broadcast_in_dim3A_376 = vector.broadcast %add3A_270 : f32 to vector<8x128xf32>
    %broadcast_in_dim3A_377 = vector.broadcast %jit3A_375 : f32 to vector<8x128xf32>
    %select_n3A_378 = arith.select %and3A_374, %broadcast_in_dim3A_376, %broadcast_in_dim3A_377 : vector<8x128xi1>, vector<8x128xf32>
    %add3A_379 = arith.addf %add3A_367, %select_n3A_378 : vector<8x128xf32>
    %eq3A_380 = arith.constant 0 : i32
    %eq3A_381 = vector.broadcast %eq3A_380 : i32 to vector<8x128xi32>
    %eq3A_382 = arith.cmpi eq, %iota3A_329, %eq3A_381 : vector<8x128xi32>
    %eq3A_383 = arith.constant 4 : i32
    %eq3A_384 = vector.broadcast %eq3A_383 : i32 to vector<8x128xi32>
    %eq3A_385 = arith.cmpi eq, %iota3A_330, %eq3A_384 : vector<8x128xi32>
    %and3A_386 = arith.andi %eq3A_382, %eq3A_385 : vector<8x128xi1>
    %jit3A_387 = arith.constant 0.000000e+00 : f32
    %broadcast_in_dim3A_388 = vector.broadcast %reduce_sum3A_290 : f32 to vector<8x128xf32>
    %broadcast_in_dim3A_389 = vector.broadcast %jit3A_387 : f32 to vector<8x128xf32>
    %select_n3A_390 = arith.select %and3A_386, %broadcast_in_dim3A_388, %broadcast_in_dim3A_389 : vector<8x128xi1>, vector<8x128xf32>
    %add3A_391 = arith.addf %add3A_379, %select_n3A_390 : vector<8x128xf32>
    %eq3A_392 = arith.constant 0 : i32
    %eq3A_393 = vector.broadcast %eq3A_392 : i32 to vector<8x128xi32>
    %eq3A_394 = arith.cmpi eq, %iota3A_329, %eq3A_393 : vector<8x128xi32>
    %eq3A_395 = arith.constant 5 : i32
    %eq3A_396 = vector.broadcast %eq3A_395 : i32 to vector<8x128xi32>
    %eq3A_397 = arith.cmpi eq, %iota3A_330, %eq3A_396 : vector<8x128xi32>
    %and3A_398 = arith.andi %eq3A_394, %eq3A_397 : vector<8x128xi1>
    %jit3A_399 = arith.constant 0.000000e+00 : f32
    %broadcast_in_dim3A_400 = vector.broadcast %reduce_sum3A_299 : f32 to vector<8x128xf32>
    %broadcast_in_dim3A_401 = vector.broadcast %jit3A_399 : f32 to vector<8x128xf32>
    %select_n3A_402 = arith.select %and3A_398, %broadcast_in_dim3A_400, %broadcast_in_dim3A_401 : vector<8x128xi1>, vector<8x128xf32>
    %add3A_403 = arith.addf %add3A_391, %select_n3A_402 : vector<8x128xf32>
    %eq3A_404 = arith.constant 0 : i32
    %eq3A_405 = vector.broadcast %eq3A_404 : i32 to vector<8x128xi32>
    %eq3A_406 = arith.cmpi eq, %iota3A_329, %eq3A_405 : vector<8x128xi32>
    %eq3A_407 = arith.constant 6 : i32
    %eq3A_408 = vector.broadcast %eq3A_407 : i32 to vector<8x128xi32>
    %eq3A_409 = arith.cmpi eq, %iota3A_330, %eq3A_408 : vector<8x128xi32>
    %and3A_410 = arith.andi %eq3A_406, %eq3A_409 : vector<8x128xi1>
    %jit3A_411 = arith.constant 0.000000e+00 : f32
    %broadcast_in_dim3A_412 = vector.broadcast %reduce_sum3A_309 : f32 to vector<8x128xf32>
    %broadcast_in_dim3A_413 = vector.broadcast %jit3A_411 : f32 to vector<8x128xf32>
    %select_n3A_414 = arith.select %and3A_410, %broadcast_in_dim3A_412, %broadcast_in_dim3A_413 : vector<8x128xi1>, vector<8x128xf32>
    %add3A_415 = arith.addf %add3A_403, %select_n3A_414 : vector<8x128xf32>
    %eq3A_416 = arith.constant 0 : i32
    %eq3A_417 = vector.broadcast %eq3A_416 : i32 to vector<8x128xi32>
    %eq3A_418 = arith.cmpi eq, %iota3A_329, %eq3A_417 : vector<8x128xi32>
    %eq3A_419 = arith.constant 7 : i32
    %eq3A_420 = vector.broadcast %eq3A_419 : i32 to vector<8x128xi32>
    %eq3A_421 = arith.cmpi eq, %iota3A_330, %eq3A_420 : vector<8x128xi32>
    %and3A_422 = arith.andi %eq3A_418, %eq3A_421 : vector<8x128xi1>
    %jit3A_423 = arith.constant 0.000000e+00 : f32
    %broadcast_in_dim3A_424 = vector.broadcast %reduce_sum3A_318 : f32 to vector<8x128xf32>
    %broadcast_in_dim3A_425 = vector.broadcast %jit3A_423 : f32 to vector<8x128xf32>
    %select_n3A_426 = arith.select %and3A_422, %broadcast_in_dim3A_424, %broadcast_in_dim3A_425 : vector<8x128xi1>, vector<8x128xf32>
    %add3A_427 = arith.addf %add3A_415, %select_n3A_426 : vector<8x128xf32>
    %eq3A_428 = arith.constant 0 : i32
    %eq3A_429 = vector.broadcast %eq3A_428 : i32 to vector<8x128xi32>
    %eq3A_430 = arith.cmpi eq, %iota3A_329, %eq3A_429 : vector<8x128xi32>
    %eq3A_431 = arith.constant 8 : i32
    %eq3A_432 = vector.broadcast %eq3A_431 : i32 to vector<8x128xi32>
    %eq3A_433 = arith.cmpi eq, %iota3A_330, %eq3A_432 : vector<8x128xi32>
    %and3A_434 = arith.andi %eq3A_430, %eq3A_433 : vector<8x128xi1>
    %jit3A_435 = arith.constant 0.000000e+00 : f32
    %broadcast_in_dim3A_436 = vector.broadcast %reduce_sum3A_328 : f32 to vector<8x128xf32>
    %broadcast_in_dim3A_437 = vector.broadcast %jit3A_435 : f32 to vector<8x128xf32>
    %select_n3A_438 = arith.select %and3A_434, %broadcast_in_dim3A_436, %broadcast_in_dim3A_437 : vector<8x128xi1>, vector<8x128xf32>
    %add3A_439 = arith.addf %add3A_427, %select_n3A_438 : vector<8x128xf32>
    %eq3A_440 = arith.constant 0 : i32
    %eq3A_441 = arith.cmpi eq, %arg0, %eq3A_440 : i32
    %convert_element_type3A = arith.extui %eq3A_441 : i1 to i32
    %cond3A = arith.constant 0 : i32
    %cond3A_442 = arith.cmpi ne, %convert_element_type3A, %cond3A : i32
    scf.if %cond3A_442 {
      %broadcast_in_dim3A_450 = arith.constant 0.000000e+00 : f32
      %broadcast_in_dim3A_451 = vector.broadcast %broadcast_in_dim3A_450 : f32 to vector<8x128xf32>
      %swap3A_452 = arith.constant 0 : index
      %swap3A_453 = arith.constant 0 : index
      %swap3A_454 = vector.load %arg18[%swap3A_452, %swap3A_453] : memref<8x128xf32, #tpu.memory_space<vmem>>, vector<8x128xf32>
      tpu.vector_store %arg18[%swap3A_452, %swap3A_453], %broadcast_in_dim3A_451 {strides = array<i32>} : memref<8x128xf32, #tpu.memory_space<vmem>>, vector<8x128xf32>,
    } else {
    }
    %get3A_443 = arith.constant 0 : index
    %get3A_444 = arith.constant 0 : index
    %get3A_445 = vector.load %arg18[%get3A_443, %get3A_444] : memref<8x128xf32, #tpu.memory_space<vmem>>, vector<8x128xf32>
    %add3A_446 = arith.addf %get3A_445, %add3A_439 : vector<8x128xf32>
    %swap3A_447 = arith.constant 0 : index
    %swap3A_448 = arith.constant 0 : index
    %swap3A_449 = vector.load %arg18[%swap3A_447, %swap3A_448] : memref<8x128xf32, #tpu.memory_space<vmem>>, vector<8x128xf32>
    tpu.vector_store %arg18[%swap3A_447, %swap3A_448], %add3A_446 {strides = array<i32>} : memref<8x128xf32, #tpu.memory_space<vmem>>, vector<8x128xf32>,
    return
  }
  func.func @transform_0(%arg0: i32) -> (i32, i32) {
    %c0_i32 = arith.constant 0 : i32
    %c0_i32_0 = arith.constant 0 : i32
    return %arg0, %c0_i32 : i32, i32
  }
  func.func @transform_1(%arg0: i32) -> (i32, i32) {
    %c0_i32 = arith.constant 0 : i32
    %c0_i32_0 = arith.constant 0 : i32
    return %arg0, %c0_i32 : i32, i32
  }
  func.func @transform_2(%arg0: i32) -> (i32, i32) {
    %c0_i32 = arith.constant 0 : i32
    %c0_i32_0 = arith.constant 0 : i32
    return %arg0, %c0_i32 : i32, i32
  }
  func.func @transform_3(%arg0: i32) -> (i32, i32) {
    %c0_i32 = arith.constant 0 : i32
    %c0_i32_0 = arith.constant 0 : i32
    return %arg0, %c0_i32 : i32, i32
  }
  func.func @transform_4(%arg0: i32) -> (i32, i32) {
    %c0_i32 = arith.constant 0 : i32
    %c0_i32_0 = arith.constant 0 : i32
    return %arg0, %c0_i32 : i32, i32
  }
  func.func @transform_5(%arg0: i32) -> (i32, i32) {
    %c0_i32 = arith.constant 0 : i32
    %c0_i32_0 = arith.constant 0 : i32
    return %arg0, %c0_i32 : i32, i32
  }
  func.func @transform_6(%arg0: i32) -> (i32, i32) {
    %c0_i32 = arith.constant 0 : i32
    %c0_i32_0 = arith.constant 0 : i32
    return %arg0, %c0_i32 : i32, i32
  }
  func.func @transform_7(%arg0: i32) -> (i32, i32) {
    %c0_i32 = arith.constant 0 : i32
    %c0_i32_0 = arith.constant 0 : i32
    %c0_i32_1 = arith.constant 0 : i32
    return %c0_i32, %c0_i32_0 : i32, i32
  }
  func.func @transform_8(%arg0: i32) -> (i32, i32) {
    %c0_i32 = arith.constant 0 : i32
    %c0_i32_0 = arith.constant 0 : i32
    %c0_i32_1 = arith.constant 0 : i32
    return %c0_i32, %c0_i32_0 : i32, i32
  }
  func.func @transform_9(%arg0: i32) -> (i32, i32) {
    %c0_i32 = arith.constant 0 : i32
    %c0_i32_0 = arith.constant 0 : i32
    %c0_i32_1 = arith.constant 0 : i32
    return %c0_i32, %c0_i32_0 : i32, i32
  }
  func.func @transform_10(%arg0: i32) -> (i32, i32) {
    %c0_i32 = arith.constant 0 : i32
    %c0_i32_0 = arith.constant 0 : i32
    %c0_i32_1 = arith.constant 0 : i32
    return %c0_i32, %c0_i32_0 : i32, i32
  }
  func.func @transform_11(%arg0: i32) -> (i32, i32) {
    %c0_i32 = arith.constant 0 : i32
    %c0_i32_0 = arith.constant 0 : i32
    %c0_i32_1 = arith.constant 0 : i32
    return %c0_i32, %c0_i32_0 : i32, i32
  }
  func.func @transform_12(%arg0: i32) -> (i32, i32) {
    %c0_i32 = arith.constant 0 : i32
    %c0_i32_0 = arith.constant 0 : i32
    %c0_i32_1 = arith.constant 0 : i32
    return %c0_i32, %c0_i32_0 : i32, i32
  }
  func.func @transform_13(%arg0: i32) -> (i32, i32) {
    %c0_i32 = arith.constant 0 : i32
    %c0_i32_0 = arith.constant 0 : i32
    %c0_i32_1 = arith.constant 0 : i32
    return %c0_i32, %c0_i32_0 : i32, i32
  }
  func.func @transform_14(%arg0: i32) -> (i32, i32) {
    %c0_i32 = arith.constant 0 : i32
    %c0_i32_0 = arith.constant 0 : i32
    return %arg0, %c0_i32 : i32, i32
  }
  func.func @transform_15(%arg0: i32) -> (i32, i32) {
    %c0_i32 = arith.constant 0 : i32
    %c0_i32_0 = arith.constant 0 : i32
    return %arg0, %c0_i32 : i32, i32
  }
  func.func @transform_16(%arg0: i32) -> (i32, i32) {
    %c0_i32 = arith.constant 0 : i32
    %c0_i32_0 = arith.constant 0 : i32
    return %arg0, %c0_i32 : i32, i32
  }
  func.func @transform_17(%arg0: i32) -> (i32, i32) {
    %c0_i32 = arith.constant 0 : i32
    %c0_i32_0 = arith.constant 0 : i32
    %c0_i32_1 = arith.constant 0 : i32
    return %c0_i32, %c0_i32_0 : i32, i32
  }
}

</mosaic_0001>

<sc_bundles>
// kernel: kernel.4.cloned.1.call-start
scs
__scs_entry_jumppad:
0x0: {  	(pc) =	sbr.rel $0x88, $3  }
0x1: {  	(tag) =	ssettag $0x0;
	lr =	simm.s32 $0x1  }
0x2: {  	[smem:$0x3F91] =	sst lr;
	_ =	strace $0xD0000000  }
0x3: {  	_ = 	snop  }
0x4: {  	_ = 	snop  }
0x5: {  	_ = 	snop  }
0x6: {  	_ = 	snop  }
0x7: {  	_ = 	snop  }
__scs_overlays_trampoline_lowered:
0x8: {  	[smem:$0x3FA0] =	sst s0  }
0x9: {  	[smem:$0x3FA1] =	sst s1  }
0xa: {  	[smem:$0x3FA2] =	sst s2  }
0xb: {  	[smem:$0x3FA3] =	sst s3  }
0xc: {  	[smem:$0x3FA4] =	sst s4  }
0xd: {  	[smem:$0x3FA5] =	sst s5  }
0xe: {  	[smem:$0x3FA6] =	sst s6  }
0xf: {  	[smem:$0x3FA7] =	sst s7  }
0x10: {  	[smem:$0x3FA8] =	sst s8  }
0x11: {  	[smem:$0x3FA9] =	sst s9;
	s0 =	simm.s32 @!p0 $0x0  }
0x12: {  	s1 =	sld [smem:$0x3F8F];
	s0 =	simm.s32 @p0 $0x1  }
0x13: {  	[smem:$0x3FAA] =	sst s0;
	s0 =	simm.s32 @!p1 $0x0  }
0x14: {  	s2 =	sld [smem:$0x3F8E];
	s0 =	simm.s32 @p1 $0x1  }
0x15: {  	[smem:$0x3FAB] =	sst s0;
	s0 =	simm.s32 @!p2 $0x0  }
0x16: {  	s3 =	sld [smem:$0x3FDB];
	s0 =	simm.s32 @p2 $0x1  }
0x17: {  	s4 =	simm.s32 $0x1BF5;
	[smem:$0x3FAD] =	sst s0  }
0x18: {  	s0 =	sld [smem:$0x3F90];
	_ =	swait.ge [sflag:s4], $0x0  }
0x19: {  	s7 =	sld [smem:$0x3F91]  }
0x1a: {  	s8 =	sadd.s32 $0xFFFFE003, lr  }
0x1b: {  	s9 =	sadd.s32 $0xFFFFFEF7, lr;
	s5 =	simm.s32 $0xFFFFFFFF;
	p2 =	slt.u32 s8, $0xFFFFF086  }
0x1c: {  	p1 =	slt.u32 s9, $0xF7A;
	s5 =	simm.s32 @!p2 $0x0  }
0x1d: {  	s5 =	simm.s32 @p1 $0x1;
	p0 =	seq.s32 s7, s2  }
0x1e: {  	s7 =	smul.u32 @!p0 $0xF7A, s2;
	p2 =	seq.s32 @!p0 s5, $0x0  }
0x1f: {  	s9 =	smul.u32 $0xF7A, s1;
	s8 =	simm.s32 @!p0 $0x1BF5;
	p2 =	por !p2, p0  }
0x20: {  	[sflag:s8] =	ssyncset.s32 @!p0 $0xFFFFF086;
	s6 =	sadd.s32 @!p0 s3, s7;
	s7 =	simm.s32 @!p0 $0x108  }
0x21: {  	s3 =	sadd.s32 s3, s9;
	s6 =	sadd.s32 @!p0 $0x88, s6;
	s7 =	simm.s32 @p2 $0x1082  }
0x22: {  	[simem:s7], [sflag:s8] =	dma.local @!p0 [hbm:s6], $0xF7A  }
0x23: {  	s9 =	sor.u32 $0xD0000000, s2;
	s6 =	simm.s32 $0x108;
	_ =	swait.ge @!p0 [sflag:s8], $0x0  }
0x24: {  	s3 =	sadd.s32 $0x88, s3;
	s6 =	simm.s32 @!p1 $0x1082;
	[sflag:s4] =	ssyncset.s32 $0xFFFFF086  }
0x25: {  	[simem:s6], [sflag:s4] =	dma.local [hbm:s3], $0xF7A  }
0x26: {  	[smem:$0x3F91] =	sst s1;
	(tag) =	ssettag s2;
	_ =	strace s9  }
0x27: {  	s1 =	sld [smem:$0x3FA1]  }
0x28: {  	s2 =	sld [smem:$0x3FA2]  }
0x29: {  	s4 =	sld [smem:$0x3FA4]  }
0x2a: {  	p0 =	seq.s32 s5, $0x0;
	s5 =	sld [smem:$0x3FA5]  }
0x2b: {  	s6 =	sld [smem:$0x3FA6]  }
0x2c: {  	s7 =	sld [smem:$0x3FA7]  }
0x2d: {  	s3 =	simm.s32 $0x108;
	s8 =	sld [smem:$0x3FA8]  }
0x2e: {  	s3 =	simm.s32 @!p0 $0x1082;
	s9 =	sld [smem:$0x3FA9]  }
0x2f: {  	lr =	sadd.s32 s0, s3;
	s0 =	sld [smem:$0x3FA0]  }
0x30: {  	s3 =	sld [smem:$0x3FA3]  }
0x31: {  	[smem:$0x3FAC] =	sst s10  }
0x32: {  	s10 =	sld [smem:$0x3FAA];
	_ =	sdelay $0x3  }
0x33: {  	p0 =	seq.s32 s10, $0x1;
	s10 =	sld [smem:$0x3FAC];
	_ =	sdelay $0x3  }
0x34: {  	[smem:$0x3FAC] =	sst s10  }
0x35: {  	s10 =	sld [smem:$0x3FAB];
	_ =	sdelay $0x3  }
0x36: {  	p1 =	seq.s32 s10, $0x1;
	s10 =	sld [smem:$0x3FAC];
	_ =	sdelay $0x3  }
0x37: {  	[smem:$0x3FAC] =	sst s10  }
0x38: {  	s10 =	sld [smem:$0x3FAD]  }
0x39: {  	_ = 	snop;
	(pc) =	sbr.ind lr, $3  }
0x3a: {  	_ = 	snop  }
0x3b: {  	_ = 	snop  }
0x3c: {  	p2 =	seq.s32 s10, $0x1;
	s10 =	sld [smem:$0x3FAC]  }
0x3d: {  	_ =	shalt  }
0x3e: {  	_ =	shalt  }
0x3f: {  	_ =	shalt  }
0x40: {  	_ =	shalt  }
0x41: {  	_ =	shalt  }
0x42: {  	_ =	shalt  }
0x43: {  	_ =	shalt  }
0x44: {  	_ =	shalt  }
0x45: {  	_ =	shalt  }
0x46: {  	_ =	shalt  }
0x47: {  	_ =	shalt  }
0x48: {  	_ =	shalt  }
0x49: {  	_ =	shalt  }
0x4a: {  	_ =	shalt  }
0x4b: {  	_ =	shalt  }
0x4c: {  	_ =	shalt  }
0x4d: {  	_ =	shalt  }
0x4e: {  	_ =	shalt  }
0x4f: {  	_ =	shalt  }
0x50: {  	_ =	shalt  }
0x51: {  	_ =	shalt  }
0x52: {  	_ =	shalt  }
0x53: {  	_ =	shalt  }
0x54: {  	_ =	shalt  }
0x55: {  	_ =	shalt  }
0x56: {  	_ =	shalt  }
0x57: {  	_ =	shalt  }
0x58: {  	_ =	shalt  }
0x59: {  	_ =	shalt  }
0x5a: {  	_ =	shalt  }
0x5b: {  	_ =	shalt  }
0x5c: {  	_ =	shalt  }
0x5d: {  	_ =	shalt  }
0x5e: {  	_ =	shalt  }
0x5f: {  	_ =	shalt  }
0x60: {  	_ =	shalt  }
0x61: {  	_ =	shalt  }
0x62: {  	_ =	shalt  }
0x63: {  	_ =	shalt  }
0x64: {  	_ =	shalt  }
0x65: {  	_ =	shalt  }
0x66: {  	_ =	shalt  }
0x67: {  	_ =	shalt  }
0x68: {  	_ =	shalt  }
0x69: {  	_ =	shalt  }
0x6a: {  	_ =	shalt  }
0x6b: {  	_ =	shalt  }
0x6c: {  	_ =	shalt  }
0x6d: {  	_ =	shalt  }
0x6e: {  	_ =	shalt  }
0x6f: {  	_ =	shalt  }
0x70: {  	_ =	shalt  }
0x71: {  	_ =	shalt  }
0x72: {  	_ =	shalt  }
0x73: {  	_ =	shalt  }
0x74: {  	_ =	shalt  }
0x75: {  	_ =	shalt  }
0x76: {  	_ =	shalt  }
0x77: {  	_ =	shalt  }
0x78: {  	_ =	shalt  }
0x79: {  	_ =	shalt  }
0x7a: {  	_ =	shalt  }
0x7b: {  	_ =	shalt  }
0x7c: {  	_ =	shalt  }
0x7d: {  	_ =	shalt  }
0x7e: {  	_ =	shalt  }
0x7f: {  	_ =	shalt  }
0x80: {  	_ =	shalt  }
0x81: {  	_ =	shalt  }
0x82: {  	_ =	shalt  }
0x83: {  	_ =	shalt  }
0x84: {  	_ =	shalt  }
0x85: {  	_ =	shalt  }
0x86: {  	_ =	shalt  }
0x87: {  	_ =	shalt  }
.Lfunc_end0:
.L_simem_size_0:
called_computation_lowered:
.L_overlay_start_0:
0x88: {  	s2 =	sld [smem:$0x3FD9]  }
0x89: {  	s3 =	sld [smem:$0x3FFE];
	_ =	sdelay $0x1  }
0x8a: {  	s1 =	srdreg.scid  }
0x8b: {  	s0 =	sand.u32 $0x1, s1  }
0x8c: {  	s16 =	sshll.u32 s0, $0xA;
	s2 =	sadd.s32 s3, s2  }
0x8d: {  	s2 =	sadd.s32 s2, s16  }
0x8e: {  	[smem:$0x3FB8] =	sst s2  }
0x8f: {  	_ = 	snop  }
0x90: {  	(tm) =	ssettm $0x1  }
0x91: {  	s17 =	sld [smem:$0x3FFB];
	_ =	sdelay $0x3  }
0x92: {  	_ =	strace s17  }
0x93: {  	s2 =	sld [smem:$0x3FFC];
	_ =	sdelay $0x3  }
0x94: {  	_ =	strace s2  }
0x95: {  	s2 =	sld [smem:$0x3FFD];
	_ =	sdelay $0x3  }
0x96: {  	_ =	strace s2  }
0x97: {  	_ =	strace $0x8FFFFFFF  }
0x98: {  	s18 =	sld [smem:$0x3FDB];
	_ =	sdelay $0x1  }
0x99: {  	s19 =	simm.s32 $_scs_section_size  }
0x9a: {  	s4 =	simm.s32 $_size__tile_overlayer_lowered;
	s5 =	simm.s32 $_tile_overlayer_lowered  }
0x9b: {  	s22 =	simm.s32 $0x1BFF;
	s21 =	sshll.u32 s5, $0x1;
	s2 =	sadd.s32 s19, s18  }
0x9c: {  	s6 =	simm.s32 $0x0;
	s20 =	sshll.u32 s4, $0x1;
	s4 =	sadd.s32 s21, s2  }
0x9d: {  	[timem:s6], [sflag:s22] =	dma.local [hbm:s4], s20  }
0x9e: {  	_ =	swait.ge [sflag:s22], s20  }
0x9f: {  	s3 =	ssub.s32 $0x0, s20;
	[sflag:s22] =	ssyncset.done $0x0  }
0xa0: {  	[sflag:s22] =	ssyncadd.s32 s3;
	_ =	sdelay $0x1  }
0xa1: {  	s23 =	simm.s32 $0x1B8B  }
0xa2: {  	_ =	swait.ge [sflag:s23], $0x1  }
0xa3: {  	[sflag:s23] =	ssyncset.done $0x0  }
0xa4: {  	s25 =	simm.s32 $0x1B8E;
	s24 =	sld [smem:$0x3FFE];
	[sflag:s23] =	ssyncadd.s32 $0xFFFFFFFF  }
0xa5: {  	s26 =	simm.s32 $execute0_lowered;
	[smem:$0x3FD2] =	sst s25  }
0xa6: {  	s4 =	sshll.u32 s26, $0x1;
	_ =	strace $0x80000046;
	[dreg:$0x1] =	wrdreg $0xFFFFFFFF  }
0xa7: {  	s28 =	simm.s32 $_size_execute0_lowered;
	s2 =	sadd.s32 s2, s4;
	[dreg:$0x0] =	wrdreg $0x0  }
0xa8: {  	s4 =	sshll.u32 s28, $0x1;
	[dreg:$0x2] =	wrdreg s2  }
0xa9: {  	[dreg:$0x3] =	wrdreg s4  }
0xaa: {  	[dreg:$0x4] =	wrdreg $0xC0  }
0xab: {  	_ =	task [dreg:s6], $0x5FFFF  }
0xac: {  	[dreg:$0x1] =	wrdreg $0xFFFFFFFF  }
0xad: {  	[dreg:$0x0] =	wrdreg $0x60  }
0xae: {  	[dreg:$0x2] =	wrdreg s24  }
0xaf: {  	[dreg:$0x3] =	wrdreg $0x9  }
0xb0: {  	_ =	task.clear_ibuf [dreg:s6], $0x4FFFF;
	_ =	strace $0x90000046  }
0xb1: {  	s29 =	simm.s32 $0x9;
	_ =	strace $0x80000048  }
0xb2: {  	_ =	swait.ge [sflag:s29], $0x1  }
0xb3: {  	[sflag:s29] =	ssyncadd.s32 $0xFFFFFFFF  }
0xb4: {  	_ =	strace $0x90000048  }
0xb5: {  	_ =	sfence  }
0xb6: {  	s30 =	sld [smem:$0x0];
	_ =	sdelay $0x2  }
0xb7: {  	s31 =	sshll.u32 s1, $0xD;
	s1 =	sshrl.u32 s1, $0x2  }
0xb8: {  	s3 =	sand.u32 $0x4000, s31;
	s1 =	sadd.s32 s1, s30  }
0xb9: {  	s0 =	sor.u32 s3, s0;
	s1 =	sshll.u32 s1, $0x11  }
0xba: {  	s0 =	sor.u32 s1, s0  }
0xbb: {  	s0 =	sadd.s32 $0x8F2B, s0  }
0xbc: {  	[sflag:s0] =	ssyncadd.remote.s32 $0x1  }
0xbd: {  	_ =	sfence.sel $0xFFFF  }
0xbe: {  	[dreg:$0x0] =	wrdreg $0xFFFFFFFF;
	(pc) =	sbr.abs _section_cstart, $3  }
0xbf: {  	[dreg:$0x1] =	wrdreg $0xFFFFFFFF  }
0xc0: {  	_ =	task.clear_ibuf [dreg:s6], $0x2FFFF;
	_ =	strace $0x9FFFFFFF  }
0xc1: {  	(tm) =	ssettm $0x7FFFFFFF  }
tec
execute0_lowered:
.L_overlay_start_1:
0x0: {  	(tag) =	ssettag $0x1  }
0x1: {  	s0 =	rddreg [dreg:$0x0];
	s1 =	simm.s32 $0x0  }
0x2: {  	s2 =	srdreg.scid;
	s5 =	stileid.u32;
	s19 =	simm.s32 $0x2  }
0x3: {  	s20 =	simm.s32 $0xA688;
	s21 =	simm.s32 $0x1880;
	s22 =	simm.s32 $0x3100  }
0x4: {  	s23 =	simm.s32 $0x4980;
	s24 =	simm.s32 $0x6200;
	s28 =	simm.s32 $0x142C8  }
0x5: {  	s29 =	simm.s32 $0x14648;
	s30 =	simm.s32 $0x80;
	s31 =	simm.s32 $0x149C8  }
0x6: {  	[smem:$0x7FF] =	sst s1;
	s8 =	sadd.s32 $0x9E00, s0;
	s6 =	sadd.s32 $0x25800, s0  }
0x7: {  	s25 =	sadd.s32 $0x5CA00, s0;
	_ =	strace $0x80000047;
	[dreg:$0xa] =	wrdreg s6  }
0x8: {  	s9 =	sadd.s32 $0x6C00, s0;
	s26 =	sadd.s32 $0x56800, s0;
	[dreg:$0xb] =	wrdreg s25  }
0x9: {  	s10 =	sadd.s32 $0x3A00, s0;
	s12 =	sadd.s32 $0x800, s0;
	[dreg:$0xc] =	wrdreg s26  }
0xa: {  	s13 =	sadd.s32 $0x1D0A00, s0;
	s2 =	sand.u32 $0x1, s2;
	[dreg:$0x2] =	wrdreg s8  }
0xb: {  	s3 =	sshll.u32 s5, $0x1;
	s15 =	sadd.s32 $0x1B8200, s0;
	[dreg:$0x3] =	wrdreg s9  }
0xc: {  	s16 =	sadd.s32 $0x19FA00, s0;
	s17 =	sadd.s32 $0x187200, s0;
	[dreg:$0x4] =	wrdreg s10  }
0xd: {  	s5 =	smul.u32 $0x3100, s5;
	s3 =	sor.u32 s2, s3;
	[dreg:$0x5] =	wrdreg s12  }
0xe: {  	s6 =	ssub.s32 $0x2, s2;
	s2 =	smul.u32 $0x1880, s2;
	[dreg:$0x6] =	wrdreg s13  }
0xf: {  	s11 =	sadd.s32 $0xD000, s0;
	[dreg:$0x7] =	wrdreg s15;
	s4 =	smul.u32 $0x6, s3  }
0x10: {  	[dreg:$0x8] =	wrdreg s16;
	s14 =	smul.u32 $0x1880, s3;
	s7 =	sshrl.u32 s6, $0x1  }
0x11: {  	[dreg:$0x9] =	wrdreg s17;
	s3 =	ssub.s32 s6, s7;
	s26 =	sadd.s32 s2, s5  }
0x12: {  	s0 =	sadd.s32 s4, s0;
	s18 =	sadd.s32 $0x1880, s14;
	s25 =	smax.u32 s3, $0x1  }
0x13: {  	v3 =	vlaneseq.u32;
	v2 =	vimm.f32 $0.0e+00;
	v4 =	vimm.s32 $0x2;
	[dreg:$0xf] =	wrdreg s26;
	s26 =	simm.s32 $0x181C8;
	s3 =	simm.s32 $0x1  }
0x14: {  	v5 =	vimm.s32 $0x4;
	v6 =	vimm.f32 $1.000000000e+00;
	v3 =	vmul.u32 $0x8, v3;
	s4 =	simm.s32 $0x0;
	s0 =	sadd.s32 $0x62C00, s0;
	[dreg:$0xe] =	wrdreg s25  }
0x15: {  	v7 =	vimm.s32 $0x0;
	v1 =	vmov s14;
	s25 =	simm.s32 $0x7A80;
	v0 =	vmov s18;
	[dreg:$0xd] =	wrdreg s0;
	s0 =	simm.s32 $0x165C8  }
.LBB2_1:
0x16: {  	[dreg:$0x10] =	wrdreg s4;
	s4 =	simm.s32 $0x0  }
0x17: {  	[tilespmem:s4+$0x7A80] =	vst v2  }
0x18: {  	[tilespmem:s4+$0x0] =	vst v2  }
0x19: {  	[tilespmem:s4+$0x1880] =	vst v2  }
0x1a: {  	[tilespmem:s4+$0x3100] =	vst v2  }
0x1b: {  	s5 =	simm.s32 $0x40;
	[tilespmem:s4+$0x4980] =	vst v2  }
.LBB2_2:
0x1c: {  	p0 =	sne.s32 s5, $0x61C0;
	[tilespmem:s4+$0x6200] =	vst v2;
	s4 =	sshra.s32 s5, $0x2;
	s5 =	sadd.s32 $0x40, s5  }
.Ltmp0:
0x1d: {  	s2 =	simm.s32 $0x0;
	[tilespmem:s4+$0x7A80] =	vst v2;
	(pc) =	sbr.rel @p0 .LBB2_2-.Ltmp0, $4  }
0x1e: {  	[tilespmem:s4+$0x0] =	vst v2  }
0x1f: {  	[tilespmem:s4+$0x1880] =	vst v2  }
0x20: {  	[tilespmem:s4+$0x3100] =	vst v2  }
0x21: {  	[tilespmem:s4+$0x4980] =	vst v2  }
0x22: {  	[tilespmem:s4+$0x6200] =	vst v2;
	s5 =	simm.s32 $0x0  }
.LBB2_4:
0x23: {  	s4 =	smul.u32 $0x271, s5;
	_ =	sdelay $0x1  }
0x24: {  	s6 =	sadd.s32 s8, s4;
	s4 =	simm.s32 $0x9300  }
0x25: {  	[tilespmem:s4], [sflag:$0x2] =	stream.linear.gather [hbm4b:s6+s2], $0x1388, $0x38;
	[tilespmem:$0x19DF8] =	vst v63  }
0x26: {  	s18 =	smul.u32 $0x1388, s5;
	_ =	swait.ge [sflag:s19], $0x1388  }
0x27: {  	[sflag:s19] =	ssyncset.done $0x0  }
0x28: {  	s6 =	sadd.s32 s13, s18;
	[sflag:s19] =	ssyncadd.s32 $0xFFFFEC78  }
0x29: {  	[tilespmem:s20], [sflag:$0x2] =	stream.linear.gather [hbm4b:s6+s2], $0x9C40, $0x38;
	[tilespmem:$0x19DF8] =	vst v63  }
0x2a: {  	_ =	swait.ge [sflag:s19], $0x9C40  }
0x2b: {  	[sflag:s19] =	ssyncset.done $0x0  }
0x2c: {  	[sflag:s19] =	ssyncadd.s32 $0xFFFF63C0  }
0x2d: {  	v8 =	vld [tilespmem:s4+$0x0];
	_ =	sdelay $0x1  }
0x2e: {  	v9 =	vmov s2  }
0x2f: {  	v9 =	vshll.u32 v9, $0x3  }
0x30: {  	v9 =	vor.u32 v3, v9  }
0x31: {  	v11 =	vor.u32 $0x2, v9;
	v10 =	vand.u32 $0x3FFFF, v8  }
0x32: {  	v12 =	vor.u32 $0x1, v9;
	vm0 =	vgt.s32 v8, $0xFFFFFFFF;
	vm1 =	vge.u32 v10, v1  }
0x33: {  	v13 =	vand.u32 $0x40000, v8;
	vm2 =	vlt.u32 v10, v0;
	vm0 =	vmand vm0, vm1  }
0x34: {  	v10 =	vsub.s32 v10, v1;
	vm1 =	vne.s32 v13, $0x0;
	vm0 =	vmand vm2, vm0  }
0x35: {  	v8 =	vand.u32 $0x7, v8;
	v10 =	vand.u32 $0xFFFFFFF8, v10;
	vm1 =	vmand vm1, vm0  }
0x36: {  	v14 =	vld.idx.msk [tilespmem:v9+s20+$0x0], $0xffff;
	v8 =	vor.u32 v8, v10  }
0x37: {  	vm2 =	veq.s32 v13, $0x0;
	v10 =	vld.idx.msk [tilespmem:v12+s20+$0x0], $0xffff  }
0x38: {  	v9 =	vld.idx.msk [tilespmem:v11+s20+$0x0], $0xffff;
	vm0 =	vmand vm0, vm2;
	_ =	sdelay $0x2  }
0x39: {  	[tilespmem:v8+s1+$0x0] =	vst.idx.msk vm1, v14  }
0x3a: {  	[tilespmem:v8+s21+$0x0] =	vst.idx.msk vm1, v10  }
0x3b: {  	[tilespmem:v8+s22+$0x0] =	vst.idx.msk vm1, v9  }
0x3c: {  	s6 =	simm.s32 $0x10;
	[tilespmem:v8+s23+$0x0] =	vst.idx.msk vm0, v14  }
.LBB2_5:
0x3d: {  	p0 =	sne.s32 s6, $0x1370  }
0x3e: {  	[tilespmem:v8+s24+$0x0] =	vst.idx.msk vm0, v10;
	s4 =	sadd.s32 $0x10, s4;
	s7 =	smov.u32 s6;
	s6 =	sadd.s32 $0x10, s6  }
0x3f: {  	[tilespmem:v8+s25+$0x0] =	vst.idx.msk vm0, v9  }
0x40: {  	v8 =	vld [tilespmem:s4+$0x0]  }
0x41: {  	v9 =	vmov s7  }
0x42: {  	v9 =	vshll.u32 v9, $0x3  }
0x43: {  	v9 =	vor.u32 v3, v9  }
0x44: {  	v11 =	vor.u32 $0x2, v9  }
0x45: {  	v12 =	vor.u32 $0x1, v9;
	vm0 =	vgt.s32 v8, $0xFFFFFFFF;
	v10 =	vand.u32 $0x3FFFF, v8  }
0x46: {  	v13 =	vand.u32 $0x40000, v8;
	vm1 =	vge.u32 v10, v1;
	vm2 =	vlt.u32 v10, v0  }
0x47: {  	v10 =	vsub.s32 v10, v1;
	vm0 =	vmand vm0, vm1;
	vm1 =	vne.s32 v13, $0x0  }
0x48: {  	v8 =	vand.u32 $0x7, v8;
	vm0 =	vmand vm2, vm0;
	v14 =	vld.idx.msk [tilespmem:v9+s20+$0x0], $0xffff;
	v9 =	vand.u32 $0xFFFFFFF8, v10  }
0x49: {  	vm1 =	vmand vm1, vm0;
	v8 =	vor.u32 v8, v9  }
0x4a: {  	vm2 =	veq.s32 v13, $0x0;
	v10 =	vld.idx.msk [tilespmem:v12+s20+$0x0], $0xffff  }
0x4b: {  	vm0 =	vmand vm0, vm2;
	v9 =	vld.idx.msk [tilespmem:v11+s20+$0x0], $0xffff;
	_ =	sdelay $0x2  }
.Ltmp1:
0x4c: {  	(pc) =	sbr.rel @p0 .LBB2_5-.Ltmp1, $4  }
0x4d: {  	[tilespmem:v8+s1+$0x0] =	vst.idx.msk vm1, v14  }
0x4e: {  	[tilespmem:v8+s21+$0x0] =	vst.idx.msk vm1, v10  }
0x4f: {  	[tilespmem:v8+s22+$0x0] =	vst.idx.msk vm1, v9  }
0x50: {  	[tilespmem:v8+s23+$0x0] =	vst.idx.msk vm0, v14  }
0x51: {  	s5 =	sadd.s32 $0x1, s5  }
0x52: {  	p0 =	sne.s32 s5, $0x14  }
.Ltmp2:
0x53: {  	_ = 	snop;
	(pc) =	sbr.rel @p0 .LBB2_4-.Ltmp2, $3  }
0x54: {  	_ =	sdelay $0x1  }
0x55: {  	[tilespmem:v8+s24+$0x0] =	vst.idx.msk vm0, v10  }
0x56: {  	s4 =	simm.s32 $0x0;
	[tilespmem:v8+s25+$0x0] =	vst.idx.msk vm0, v9  }
0x57: {  	s5 =	simm.s32 $0x0  }
.LBB2_8:
0x58: {  	s2 =	smul.u32 $0x271, s5;
	_ =	sdelay $0x1  }
0x59: {  	s6 =	sadd.s32 s9, s2;
	s2 =	simm.s32 $0x9300  }
0x5a: {  	[tilespmem:s2], [sflag:$0x2] =	stream.linear.gather [hbm4b:s6+s4], $0x1388, $0x38;
	[tilespmem:$0x19DF8] =	vst v63  }
0x5b: {  	s18 =	smul.u32 $0x1388, s5;
	_ =	swait.ge [sflag:s19], $0x1388  }
0x5c: {  	[sflag:s19] =	ssyncset.done $0x0  }
0x5d: {  	s6 =	sadd.s32 s15, s18;
	[sflag:s19] =	ssyncadd.s32 $0xFFFFEC78  }
0x5e: {  	[tilespmem:s20], [sflag:$0x2] =	stream.linear.gather [hbm4b:s6+s4], $0x9C40, $0x38;
	[tilespmem:$0x19DF8] =	vst v63  }
0x5f: {  	_ =	swait.ge [sflag:s19], $0x9C40  }
0x60: {  	[sflag:s19] =	ssyncset.done $0x0  }
0x61: {  	[sflag:s19] =	ssyncadd.s32 $0xFFFF63C0  }
0x62: {  	v8 =	vld [tilespmem:s2+$0x0];
	_ =	sdelay $0x1  }
0x63: {  	v9 =	vmov s4  }
0x64: {  	v9 =	vshll.u32 v9, $0x3  }
0x65: {  	v9 =	vor.u32 v3, v9  }
0x66: {  	v11 =	vor.u32 $0x2, v9;
	v10 =	vand.u32 $0x3FFFF, v8  }
0x67: {  	v12 =	vor.u32 $0x1, v9;
	vm0 =	vgt.s32 v8, $0xFFFFFFFF;
	vm1 =	vge.u32 v10, v1  }
0x68: {  	v13 =	vand.u32 $0x40000, v8;
	vm2 =	vlt.u32 v10, v0;
	vm0 =	vmand vm0, vm1  }
0x69: {  	v10 =	vsub.s32 v10, v1;
	vm1 =	vne.s32 v13, $0x0;
	vm0 =	vmand vm2, vm0  }
0x6a: {  	v8 =	vand.u32 $0x7, v8;
	v10 =	vand.u32 $0xFFFFFFF8, v10;
	vm1 =	vmand vm1, vm0  }
0x6b: {  	v14 =	vld.idx.msk [tilespmem:v9+s20+$0x0], $0xffff;
	v8 =	vor.u32 v8, v10  }
0x6c: {  	vm2 =	veq.s32 v13, $0x0;
	v10 =	vld.idx.msk [tilespmem:v12+s20+$0x0], $0xffff  }
0x6d: {  	v9 =	vld.idx.msk [tilespmem:v11+s20+$0x0], $0xffff;
	vm0 =	vmand vm0, vm2;
	_ =	sdelay $0x2  }
0x6e: {  	[tilespmem:v8+s1+$0x0] =	vst.idx.msk vm1, v14  }
0x6f: {  	[tilespmem:v8+s21+$0x0] =	vst.idx.msk vm1, v10  }
0x70: {  	[tilespmem:v8+s22+$0x0] =	vst.idx.msk vm1, v9  }
0x71: {  	s6 =	simm.s32 $0x10;
	[tilespmem:v8+s23+$0x0] =	vst.idx.msk vm0, v14  }
.LBB2_9:
0x72: {  	p0 =	sne.s32 s6, $0x1370  }
0x73: {  	[tilespmem:v8+s24+$0x0] =	vst.idx.msk vm0, v10;
	s2 =	sadd.s32 $0x10, s2;
	s7 =	smov.u32 s6;
	s6 =	sadd.s32 $0x10, s6  }
0x74: {  	[tilespmem:v8+s25+$0x0] =	vst.idx.msk vm0, v9  }
0x75: {  	v8 =	vld [tilespmem:s2+$0x0]  }
0x76: {  	v9 =	vmov s7  }
0x77: {  	v9 =	vshll.u32 v9, $0x3  }
0x78: {  	v9 =	vor.u32 v3, v9  }
0x79: {  	v11 =	vor.u32 $0x2, v9  }
0x7a: {  	v12 =	vor.u32 $0x1, v9;
	vm0 =	vgt.s32 v8, $0xFFFFFFFF;
	v10 =	vand.u32 $0x3FFFF, v8  }
0x7b: {  	v13 =	vand.u32 $0x40000, v8;
	vm1 =	vge.u32 v10, v1;
	vm2 =	vlt.u32 v10, v0  }
0x7c: {  	v10 =	vsub.s32 v10, v1;
	vm0 =	vmand vm0, vm1;
	vm1 =	vne.s32 v13, $0x0  }
0x7d: {  	v8 =	vand.u32 $0x7, v8;
	vm0 =	vmand vm2, vm0;
	v14 =	vld.idx.msk [tilespmem:v9+s20+$0x0], $0xffff;
	v9 =	vand.u32 $0xFFFFFFF8, v10  }
0x7e: {  	vm1 =	vmand vm1, vm0;
	v8 =	vor.u32 v8, v9  }
0x7f: {  	vm2 =	veq.s32 v13, $0x0;
	v10 =	vld.idx.msk [tilespmem:v12+s20+$0x0], $0xffff  }
0x80: {  	vm0 =	vmand vm0, vm2;
	v9 =	vld.idx.msk [tilespmem:v11+s20+$0x0], $0xffff;
	_ =	sdelay $0x2  }
.Ltmp3:
0x81: {  	(pc) =	sbr.rel @p0 .LBB2_9-.Ltmp3, $4  }
0x82: {  	[tilespmem:v8+s1+$0x0] =	vst.idx.msk vm1, v14  }
0x83: {  	[tilespmem:v8+s21+$0x0] =	vst.idx.msk vm1, v10  }
0x84: {  	[tilespmem:v8+s22+$0x0] =	vst.idx.msk vm1, v9  }
0x85: {  	[tilespmem:v8+s23+$0x0] =	vst.idx.msk vm0, v14  }
0x86: {  	s5 =	sadd.s32 $0x1, s5  }
0x87: {  	p0 =	sne.s32 s5, $0x14  }
.Ltmp4:
0x88: {  	_ = 	snop;
	(pc) =	sbr.rel @p0 .LBB2_8-.Ltmp4, $3  }
0x89: {  	_ =	sdelay $0x1  }
0x8a: {  	[tilespmem:v8+s24+$0x0] =	vst.idx.msk vm0, v10  }
0x8b: {  	s2 =	simm.s32 $0x0;
	[tilespmem:v8+s25+$0x0] =	vst.idx.msk vm0, v9  }
0x8c: {  	s5 =	simm.s32 $0x0  }
.LBB2_12:
0x8d: {  	s4 =	smul.u32 $0x271, s5;
	_ =	sdelay $0x1  }
0x8e: {  	s6 =	sadd.s32 s10, s4;
	s4 =	simm.s32 $0x9300  }
0x8f: {  	[tilespmem:s4], [sflag:$0x2] =	stream.linear.gather [hbm4b:s6+s2], $0x1388, $0x38;
	[tilespmem:$0x19DF8] =	vst v63  }
0x90: {  	s18 =	smul.u32 $0x1388, s5;
	_ =	swait.ge [sflag:s19], $0x1388  }
0x91: {  	[sflag:s19] =	ssyncset.done $0x0  }
0x92: {  	s6 =	sadd.s32 s16, s18;
	[sflag:s19] =	ssyncadd.s32 $0xFFFFEC78  }
0x93: {  	[tilespmem:s20], [sflag:$0x2] =	stream.linear.gather [hbm4b:s6+s2], $0x9C40, $0x38;
	[tilespmem:$0x19DF8] =	vst v63  }
0x94: {  	_ =	swait.ge [sflag:s19], $0x9C40  }
0x95: {  	[sflag:s19] =	ssyncset.done $0x0  }
0x96: {  	[sflag:s19] =	ssyncadd.s32 $0xFFFF63C0  }
0x97: {  	v8 =	vld [tilespmem:s4+$0x0];
	_ =	sdelay $0x1  }
0x98: {  	v9 =	vmov s2  }
0x99: {  	v9 =	vshll.u32 v9, $0x3  }
0x9a: {  	v9 =	vor.u32 v3, v9  }
0x9b: {  	v11 =	vor.u32 $0x2, v9;
	v10 =	vand.u32 $0x3FFFF, v8  }
0x9c: {  	v12 =	vor.u32 $0x1, v9;
	vm0 =	vgt.s32 v8, $0xFFFFFFFF;
	vm1 =	vge.u32 v10, v1  }
0x9d: {  	v13 =	vand.u32 $0x40000, v8;
	vm2 =	vlt.u32 v10, v0;
	vm0 =	vmand vm0, vm1  }
0x9e: {  	v10 =	vsub.s32 v10, v1;
	vm1 =	vne.s32 v13, $0x0;
	vm0 =	vmand vm2, vm0  }
0x9f: {  	v8 =	vand.u32 $0x7, v8;
	v10 =	vand.u32 $0xFFFFFFF8, v10;
	vm1 =	vmand vm1, vm0  }
0xa0: {  	v14 =	vld.idx.msk [tilespmem:v9+s20+$0x0], $0xffff;
	v8 =	vor.u32 v8, v10  }
0xa1: {  	vm2 =	veq.s32 v13, $0x0;
	v10 =	vld.idx.msk [tilespmem:v12+s20+$0x0], $0xffff  }
0xa2: {  	v9 =	vld.idx.msk [tilespmem:v11+s20+$0x0], $0xffff;
	vm0 =	vmand vm0, vm2;
	_ =	sdelay $0x2  }
0xa3: {  	[tilespmem:v8+s1+$0x0] =	vst.idx.msk vm1, v14  }
0xa4: {  	[tilespmem:v8+s21+$0x0] =	vst.idx.msk vm1, v10  }
0xa5: {  	[tilespmem:v8+s22+$0x0] =	vst.idx.msk vm1, v9  }
0xa6: {  	s6 =	simm.s32 $0x10;
	[tilespmem:v8+s23+$0x0] =	vst.idx.msk vm0, v14  }
.LBB2_13:
0xa7: {  	p0 =	sne.s32 s6, $0x1370  }
0xa8: {  	[tilespmem:v8+s24+$0x0] =	vst.idx.msk vm0, v10;
	s4 =	sadd.s32 $0x10, s4;
	s7 =	smov.u32 s6;
	s6 =	sadd.s32 $0x10, s6  }
0xa9: {  	[tilespmem:v8+s25+$0x0] =	vst.idx.msk vm0, v9  }
0xaa: {  	v8 =	vld [tilespmem:s4+$0x0]  }
0xab: {  	v9 =	vmov s7  }
0xac: {  	v9 =	vshll.u32 v9, $0x3  }
0xad: {  	v9 =	vor.u32 v3, v9  }
0xae: {  	v11 =	vor.u32 $0x2, v9  }
0xaf: {  	v12 =	vor.u32 $0x1, v9;
	vm0 =	vgt.s32 v8, $0xFFFFFFFF;
	v10 =	vand.u32 $0x3FFFF, v8  }
0xb0: {  	v13 =	vand.u32 $0x40000, v8;
	vm1 =	vge.u32 v10, v1;
	vm2 =	vlt.u32 v10, v0  }
0xb1: {  	v10 =	vsub.s32 v10, v1;
	vm0 =	vmand vm0, vm1;
	vm1 =	vne.s32 v13, $0x0  }
0xb2: {  	v8 =	vand.u32 $0x7, v8;
	vm0 =	vmand vm2, vm0;
	v14 =	vld.idx.msk [tilespmem:v9+s20+$0x0], $0xffff;
	v9 =	vand.u32 $0xFFFFFFF8, v10  }
0xb3: {  	vm1 =	vmand vm1, vm0;
	v8 =	vor.u32 v8, v9  }
0xb4: {  	vm2 =	veq.s32 v13, $0x0;
	v10 =	vld.idx.msk [tilespmem:v12+s20+$0x0], $0xffff  }
0xb5: {  	vm0 =	vmand vm0, vm2;
	v9 =	vld.idx.msk [tilespmem:v11+s20+$0x0], $0xffff;
	_ =	sdelay $0x2  }
.Ltmp5:
0xb6: {  	(pc) =	sbr.rel @p0 .LBB2_13-.Ltmp5, $4  }
0xb7: {  	[tilespmem:v8+s1+$0x0] =	vst.idx.msk vm1, v14  }
0xb8: {  	[tilespmem:v8+s21+$0x0] =	vst.idx.msk vm1, v10  }
0xb9: {  	[tilespmem:v8+s22+$0x0] =	vst.idx.msk vm1, v9  }
0xba: {  	[tilespmem:v8+s23+$0x0] =	vst.idx.msk vm0, v14  }
0xbb: {  	s5 =	sadd.s32 $0x1, s5  }
0xbc: {  	p0 =	sne.s32 s5, $0x14  }
.Ltmp6:
0xbd: {  	_ = 	snop;
	(pc) =	sbr.rel @p0 .LBB2_12-.Ltmp6, $3  }
0xbe: {  	_ =	sdelay $0x1  }
0xbf: {  	[tilespmem:v8+s24+$0x0] =	vst.idx.msk vm0, v10  }
0xc0: {  	s4 =	simm.s32 $0x0;
	[tilespmem:v8+s25+$0x0] =	vst.idx.msk vm0, v9  }
0xc1: {  	s2 =	simm.s32 $0x0  }
.LBB2_16:
0xc2: {  	s5 =	smul.u32 $0x271, s2;
	_ =	sdelay $0x1  }
0xc3: {  	s6 =	sadd.s32 s12, s5;
	s5 =	simm.s32 $0x9300  }
0xc4: {  	[tilespmem:s5], [sflag:$0x2] =	stream.linear.gather [hbm4b:s6+s4], $0x1388, $0x38;
	[tilespmem:$0x19DF8] =	vst v63  }
0xc5: {  	s18 =	smul.u32 $0x1388, s2;
	_ =	swait.ge [sflag:s19], $0x1388  }
0xc6: {  	[sflag:s19] =	ssyncset.done $0x0  }
0xc7: {  	s6 =	sadd.s32 s17, s18;
	[sflag:s19] =	ssyncadd.s32 $0xFFFFEC78  }
0xc8: {  	[tilespmem:s20], [sflag:$0x2] =	stream.linear.gather [hbm4b:s6+s4], $0x9C40, $0x38;
	[tilespmem:$0x19DF8] =	vst v63  }
0xc9: {  	_ =	swait.ge [sflag:s19], $0x9C40  }
0xca: {  	[sflag:s19] =	ssyncset.done $0x0  }
0xcb: {  	[sflag:s19] =	ssyncadd.s32 $0xFFFF63C0  }
0xcc: {  	v8 =	vld [tilespmem:s5+$0x0];
	_ =	sdelay $0x1  }
0xcd: {  	v9 =	vmov s4  }
0xce: {  	v9 =	vshll.u32 v9, $0x3  }
0xcf: {  	v9 =	vor.u32 v3, v9  }
0xd0: {  	v11 =	vor.u32 $0x2, v9;
	v10 =	vand.u32 $0x3FFFF, v8  }
0xd1: {  	v12 =	vor.u32 $0x1, v9;
	vm0 =	vgt.s32 v8, $0xFFFFFFFF;
	vm1 =	vge.u32 v10, v1  }
0xd2: {  	v13 =	vand.u32 $0x40000, v8;
	vm2 =	vlt.u32 v10, v0;
	vm0 =	vmand vm0, vm1  }
0xd3: {  	v10 =	vsub.s32 v10, v1;
	vm1 =	vne.s32 v13, $0x0;
	vm0 =	vmand vm2, vm0  }
0xd4: {  	v8 =	vand.u32 $0x7, v8;
	v10 =	vand.u32 $0xFFFFFFF8, v10;
	vm1 =	vmand vm1, vm0  }
0xd5: {  	v14 =	vld.idx.msk [tilespmem:v9+s20+$0x0], $0xffff;
	v8 =	vor.u32 v8, v10  }
0xd6: {  	vm2 =	veq.s32 v13, $0x0;
	v10 =	vld.idx.msk [tilespmem:v12+s20+$0x0], $0xffff  }
0xd7: {  	v9 =	vld.idx.msk [tilespmem:v11+s20+$0x0], $0xffff;
	vm0 =	vmand vm0, vm2;
	_ =	sdelay $0x2  }
0xd8: {  	[tilespmem:v8+s1+$0x0] =	vst.idx.msk vm1, v14  }
0xd9: {  	[tilespmem:v8+s21+$0x0] =	vst.idx.msk vm1, v10  }
0xda: {  	[tilespmem:v8+s22+$0x0] =	vst.idx.msk vm1, v9  }
0xdb: {  	s6 =	simm.s32 $0x10;
	[tilespmem:v8+s23+$0x0] =	vst.idx.msk vm0, v14  }
.LBB2_17:
0xdc: {  	p0 =	sne.s32 s6, $0x1370  }
0xdd: {  	[tilespmem:v8+s24+$0x0] =	vst.idx.msk vm0, v10;
	s5 =	sadd.s32 $0x10, s5;
	s7 =	smov.u32 s6;
	s6 =	sadd.s32 $0x10, s6  }
0xde: {  	[tilespmem:v8+s25+$0x0] =	vst.idx.msk vm0, v9  }
0xdf: {  	v8 =	vld [tilespmem:s5+$0x0]  }
0xe0: {  	v9 =	vmov s7  }
0xe1: {  	v9 =	vshll.u32 v9, $0x3  }
0xe2: {  	v9 =	vor.u32 v3, v9  }
0xe3: {  	v11 =	vor.u32 $0x2, v9  }
0xe4: {  	v12 =	vor.u32 $0x1, v9;
	vm0 =	vgt.s32 v8, $0xFFFFFFFF;
	v10 =	vand.u32 $0x3FFFF, v8  }
0xe5: {  	v13 =	vand.u32 $0x40000, v8;
	vm1 =	vge.u32 v10, v1;
	vm2 =	vlt.u32 v10, v0  }
0xe6: {  	v10 =	vsub.s32 v10, v1;
	vm0 =	vmand vm0, vm1;
	vm1 =	vne.s32 v13, $0x0  }
0xe7: {  	v8 =	vand.u32 $0x7, v8;
	vm0 =	vmand vm2, vm0;
	v14 =	vld.idx.msk [tilespmem:v9+s20+$0x0], $0xffff;
	v9 =	vand.u32 $0xFFFFFFF8, v10  }
0xe8: {  	vm1 =	vmand vm1, vm0;
	v8 =	vor.u32 v8, v9  }
0xe9: {  	vm2 =	veq.s32 v13, $0x0;
	v10 =	vld.idx.msk [tilespmem:v12+s20+$0x0], $0xffff  }
0xea: {  	vm0 =	vmand vm0, vm2;
	v9 =	vld.idx.msk [tilespmem:v11+s20+$0x0], $0xffff;
	_ =	sdelay $0x2  }
.Ltmp7:
0xeb: {  	(pc) =	sbr.rel @p0 .LBB2_17-.Ltmp7, $4  }
0xec: {  	[tilespmem:v8+s1+$0x0] =	vst.idx.msk vm1, v14  }
0xed: {  	[tilespmem:v8+s21+$0x0] =	vst.idx.msk vm1, v10  }
0xee: {  	[tilespmem:v8+s22+$0x0] =	vst.idx.msk vm1, v9  }
0xef: {  	[tilespmem:v8+s23+$0x0] =	vst.idx.msk vm0, v14  }
0xf0: {  	s2 =	sadd.s32 $0x1, s2  }
0xf1: {  	p0 =	sne.s32 s2, $0x14  }
.Ltmp8:
0xf2: {  	_ = 	snop;
	(pc) =	sbr.rel @p0 .LBB2_16-.Ltmp8, $3  }
0xf3: {  	_ =	sdelay $0x1  }
0xf4: {  	[tilespmem:v8+s24+$0x0] =	vst.idx.msk vm0, v10  }
0xf5: {  	[tilespmem:v8+s25+$0x0] =	vst.idx.msk vm0, v9  }
0xf6: {  	s16 =	simm.s32 $0x0;
	s17 =	simm.s32 $0x1880;
	s18 =	simm.s32 $0x3100  }
0xf7: {  	s2 =	simm.s32 $0x4980;
	s4 =	simm.s32 $0x6200;
	s5 =	simm.s32 $0x7A80  }
0xf8: {  	v16 =	vimm.f32 $0.0e+00;
	s6 =	rddreg [dreg:$0xf];
	s7 =	simm.s32 $0x0;
	v9 =	vimm.f32 $0.0e+00;
	v8 =	vimm.f32 $0.0e+00;
	s8 =	simm.s32 $0x0  }
.LBB2_20:
0xf9: {  	s9 =	smul.u32 $0x380, s8;
	_ =	sdelay $0x1  }
0xfa: {  	s10 =	rddreg [dreg:$0xa];
	s9 =	sadd.s32 s14, s9  }
0xfb: {  	s10 =	sadd.s32 s10, s9  }
0xfc: {  	[tilespmem:s26], [sflag:$0x2] =	stream.linear.gather [hbm4b:s10+s16], $0x1C00, $0x38;
	[tilespmem:$0x19DF8] =	vst v63  }
0xfd: {  	_ =	swait.ge [sflag:s19], $0x1C00  }
0xfe: {  	s9 =	sshrl.u32 s9, $0x3;
	[sflag:s19] =	ssyncset.done $0x0;
	s15 =	rddreg [dreg:$0xb]  }
0xff: {  	[sflag:s19] =	ssyncadd.s32 $0xFFFFE400;
	s10 =	sadd.s32 s15, s9  }
0x100: {  	[tilespmem:s28], [sflag:$0x2] =	stream.linear.gather [hbm4b:s10+s16], $0x380, $0x38;
	[tilespmem:$0x19DF8] =	vst v63  }
0x101: {  	_ =	swait.ge [sflag:s19], $0x380  }
0x102: {  	[sflag:s19] =	ssyncset.done $0x0;
	s12 =	rddreg [dreg:$0xc]  }
0x103: {  	[sflag:s19] =	ssyncadd.s32 $0xFFFFFC80;
	s9 =	sadd.s32 s12, s9  }
0x104: {  	[tilespmem:s29], [sflag:$0x2] =	stream.linear.gather [hbm4b:s9+s16], $0x380, $0x38;
	[tilespmem:$0x19DF8] =	vst v63  }
0x105: {  	_ =	swait.ge [sflag:s19], $0x380  }
0x106: {  	[sflag:s19] =	ssyncset.done $0x0  }
0x107: {  	[sflag:s19] =	ssyncadd.s32 $0xFFFFFC80  }
0x108: {  	[tilespmem:s31], [sflag:$0x1] =	stream.indirect.gather [hbm4b:s11+s30], $0x8, s28, s30, $0xb8;
	[tilespmem:$0x19DF8] =	vst v63  }
0x109: {  	_ = 	snop  }
0x10a: {  	[tilespmem:s0], [sflag:$0x1] =	stream.indirect.gather [hbm4b:s11+s30], $0x8, s29, s30, $0xb8;
	[tilespmem:$0x19DF8] =	vst v63  }
0x10b: {  	s13 =	simm.s32 $0x14348;
	s15 =	simm.s32 $0x14DC8  }
0x10c: {  	[tilespmem:s15], [sflag:$0x1] =	stream.indirect.gather [hbm4b:s11+s30], $0x8, s13, s30, $0xb8;
	[tilespmem:$0x19DF8] =	vst v63  }
0x10d: {  	s10 =	simm.s32 $0x146C8;
	s12 =	simm.s32 $0x169C8  }
0x10e: {  	[tilespmem:s12], [sflag:$0x1] =	stream.indirect.gather [hbm4b:s11+s30], $0x8, s10, s30, $0xb8;
	[tilespmem:$0x19DF8] =	vst v63  }
0x10f: {  	s13 =	simm.s32 $0x143C8;
	s15 =	simm.s32 $0x151C8  }
0x110: {  	[tilespmem:s15], [sflag:$0x1] =	stream.indirect.gather [hbm4b:s11+s30], $0x8, s13, s30, $0xb8;
	[tilespmem:$0x19DF8] =	vst v63  }
0x111: {  	s10 =	simm.s32 $0x14748;
	s12 =	simm.s32 $0x16DC8  }
0x112: {  	[tilespmem:s12], [sflag:$0x1] =	stream.indirect.gather [hbm4b:s11+s30], $0x8, s10, s30, $0xb8;
	[tilespmem:$0x19DF8] =	vst v63  }
0x113: {  	s13 =	simm.s32 $0x14448;
	s15 =	simm.s32 $0x155C8  }
0x114: {  	[tilespmem:s15], [sflag:$0x1] =	stream.indirect.gather [hbm4b:s11+s30], $0x8, s13, s30, $0xb8;
	[tilespmem:$0x19DF8] =	vst v63  }
0x115: {  	s10 =	simm.s32 $0x147C8;
	s12 =	simm.s32 $0x171C8  }
0x116: {  	[tilespmem:s12], [sflag:$0x1] =	stream.indirect.gather [hbm4b:s11+s30], $0x8, s10, s30, $0xb8;
	[tilespmem:$0x19DF8] =	vst v63  }
0x117: {  	s13 =	simm.s32 $0x144C8;
	s15 =	simm.s32 $0x159C8  }
0x118: {  	[tilespmem:s15], [sflag:$0x1] =	stream.indirect.gather [hbm4b:s11+s30], $0x8, s13, s30, $0xb8;
	[tilespmem:$0x19DF8] =	vst v63  }
0x119: {  	s10 =	simm.s32 $0x14848;
	s12 =	simm.s32 $0x175C8  }
0x11a: {  	[tilespmem:s12], [sflag:$0x1] =	stream.indirect.gather [hbm4b:s11+s30], $0x8, s10, s30, $0xb8;
	[tilespmem:$0x19DF8] =	vst v63  }
0x11b: {  	s13 =	simm.s32 $0x14548;
	s15 =	simm.s32 $0x15DC8  }
0x11c: {  	[tilespmem:s15], [sflag:$0x1] =	stream.indirect.gather [hbm4b:s11+s30], $0x8, s13, s30, $0xb8;
	[tilespmem:$0x19DF8] =	vst v63  }
0x11d: {  	s10 =	simm.s32 $0x148C8;
	s12 =	simm.s32 $0x179C8  }
0x11e: {  	[tilespmem:s12], [sflag:$0x1] =	stream.indirect.gather [hbm4b:s11+s30], $0x8, s10, s30, $0xb8;
	[tilespmem:$0x19DF8] =	vst v63  }
0x11f: {  	s13 =	simm.s32 $0x145C8;
	s15 =	simm.s32 $0x161C8  }
0x120: {  	[tilespmem:s15], [sflag:$0x1] =	stream.indirect.gather [hbm4b:s11+s30], $0x8, s13, s30, $0xb8;
	[tilespmem:$0x19DF8] =	vst v63  }
0x121: {  	s10 =	simm.s32 $0x14948;
	s12 =	simm.s32 $0x17DC8  }
0x122: {  	[tilespmem:s12], [sflag:$0x1] =	stream.indirect.gather [hbm4b:s11+s30], $0x8, s10, s30, $0xb8;
	[tilespmem:$0x19DF8] =	vst v63  }
0x123: {  	_ =	swait.ge [sflag:s3], $0x400  }
0x124: {  	[sflag:s3] =	ssyncset.done $0x0  }
0x125: {  	[sflag:s3] =	ssyncadd.s32 $0xFFFFFC00  }
0x126: {  	_ =	swait.ge [sflag:s3], $0x400  }
0x127: {  	[sflag:s3] =	ssyncset.done $0x0  }
0x128: {  	[sflag:s3] =	ssyncadd.s32 $0xFFFFFC00  }
0x129: {  	_ =	swait.ge [sflag:s3], $0x400  }
0x12a: {  	[sflag:s3] =	ssyncset.done $0x0  }
0x12b: {  	[sflag:s3] =	ssyncadd.s32 $0xFFFFFC00  }
0x12c: {  	_ =	swait.ge [sflag:s3], $0x400  }
0x12d: {  	[sflag:s3] =	ssyncset.done $0x0  }
0x12e: {  	[sflag:s3] =	ssyncadd.s32 $0xFFFFFC00  }
0x12f: {  	_ =	swait.ge [sflag:s3], $0x400  }
0x130: {  	[sflag:s3] =	ssyncset.done $0x0  }
0x131: {  	[sflag:s3] =	ssyncadd.s32 $0xFFFFFC00  }
0x132: {  	_ =	swait.ge [sflag:s3], $0x400  }
0x133: {  	[sflag:s3] =	ssyncset.done $0x0  }
0x134: {  	[sflag:s3] =	ssyncadd.s32 $0xFFFFFC00  }
0x135: {  	_ =	swait.ge [sflag:s3], $0x400  }
0x136: {  	[sflag:s3] =	ssyncset.done $0x0  }
0x137: {  	[sflag:s3] =	ssyncadd.s32 $0xFFFFFC00  }
0x138: {  	_ =	swait.ge [sflag:s3], $0x400  }
0x139: {  	[sflag:s3] =	ssyncset.done $0x0  }
0x13a: {  	[sflag:s3] =	ssyncadd.s32 $0xFFFFFC00  }
0x13b: {  	_ =	swait.ge [sflag:s3], $0x400  }
0x13c: {  	[sflag:s3] =	ssyncset.done $0x0  }
0x13d: {  	[sflag:s3] =	ssyncadd.s32 $0xFFFFFC00  }
0x13e: {  	_ =	swait.ge [sflag:s3], $0x400  }
0x13f: {  	[sflag:s3] =	ssyncset.done $0x0  }
0x140: {  	[sflag:s3] =	ssyncadd.s32 $0xFFFFFC00  }
0x141: {  	_ =	swait.ge [sflag:s3], $0x400  }
0x142: {  	[sflag:s3] =	ssyncset.done $0x0  }
0x143: {  	[sflag:s3] =	ssyncadd.s32 $0xFFFFFC00  }
0x144: {  	_ =	swait.ge [sflag:s3], $0x400  }
0x145: {  	[sflag:s3] =	ssyncset.done $0x0  }
0x146: {  	v10 =	vmov s16;
	[sflag:s3] =	ssyncadd.s32 $0xFFFFFC00  }
0x147: {  	v10 =	vshll.u32 v10, $0x3;
	_ =	swait.ge [sflag:s3], $0x400  }
0x148: {  	v10 =	vor.u32 v3, v10;
	[sflag:s3] =	ssyncset.done $0x0  }
0x149: {  	v11 =	vor.u32 $0x1, v10;
	[sflag:s3] =	ssyncadd.s32 $0xFFFFFC00  }
0x14a: {  	_ =	swait.ge [sflag:s3], $0x400  }
0x14b: {  	[sflag:s3] =	ssyncset.done $0x0  }
0x14c: {  	[sflag:s3] =	ssyncadd.s32 $0xFFFFFC00  }
0x14d: {  	v17 =	vld.idx.msk [tilespmem:v10+s26+$0x0], $0xffff  }
0x14e: {  	v18 =	vld.idx.msk [tilespmem:v11+s26+$0x0], $0xffff;
	_ =	sdelay $0x1  }
0x14f: {  	v11 =	vor.u32 $0x3, v10  }
0x150: {  	v15 =	vmov s17  }
0x151: {  	v14 =	vmov s4  }
0x152: {  	v13 =	vmov s7;
	v19 =	vand.u32 $0x7FFFFFFF, v17;
	v20 =	vand.u32 $0x7FFFFFFF, v18  }
0x153: {  	v12 =	vmov s2;
	vm0 =	vgt.f32 v19, v20  }
0x154: {  	s13 =	simm.s32 $0x0;
	v19 =	vld.idx.msk [tilespmem:v11+s26+$0x0], $0xffff;
	v11 =	vor.u32 $0x2, v10;
	vm0 =	vmneg vm0  }
0x155: {  	v21 =	vld.idx.msk [tilespmem:v15+s13+$0x0 ss:$0x1], $0xffff;
	v20 =	vor.u32 $0x4, v10;
	v22 =	vsel vm0, $0x5, v5  }
0x156: {  	v23 =	vld.idx.msk [tilespmem:v14+s13+$0x0 ss:$0x1], $0xffff;
	v22 =	vor.u32 v10, v22  }
0x157: {  	v25 =	vld.idx.msk [tilespmem:v13+s13+$0x0 ss:$0x1], $0xffff;
	v24 =	vsel vm0, $0x3, v4  }
0x158: {  	v26 =	vld.idx.msk [tilespmem:v12+s13+$0x0 ss:$0x1], $0xffff;
	v24 =	vor.u32 v10, v24  }
0x159: {  	v27 =	vsel vm0, $0x1, v7;
	v28 =	vld.idx.msk [tilespmem:v11+s26+$0x0], $0xffff  }
0x15a: {  	v27 =	vor.u32 v27, v10;
	v20 =	vld.idx.msk [tilespmem:v20+s26+$0x0], $0xffff  }
0x15b: {  	s9 =	simm.s32 $0x10;
	v30 =	vld.idx.msk [tilespmem:v22+s31+$0x0], $0xffff  }
0x15c: {  	v10 =	vmov s9;
	v22 =	vld.idx.msk [tilespmem:v22+s0+$0x0], $0xffff  }
0x15d: {  	v31 =	vmul.f32 v21, v18;
	v32 =	vmul.f32 v23, v18;
	v29 =	vshll.u32 v10, $0x3;
	v34 =	vld.idx.msk [tilespmem:v24+s31+$0x0], $0xffff  }
0x15e: {  	v35 =	vmul.f32 v25, v17;
	v25 =	vsub.f32 $0.0e+00, v25;
	v29 =	vor.u32 v3, v29;
	v24 =	vld.idx.msk [tilespmem:v24+s0+$0x0], $0xffff  }
0x15f: {  	v36 =	vmul.f32 v26, v17;
	v26 =	vsub.f32 $0.0e+00, v26;
	v33 =	vor.u32 $0x1, v29;
	v37 =	vld.idx.msk [tilespmem:v27+s31+$0x0], $0xffff  }
0x160: {  	v21 =	vmul.f32 v21, v17;
	v25 =	vmul.f32 v25, v18;
	v27 =	vld.idx.msk [tilespmem:v27+s0+$0x0], $0xffff  }
0x161: {  	v23 =	vmul.f32 v23, v17;
	v26 =	vmul.f32 v26, v18;
	v31 =	vadd.f32 v31, v35  }
0x162: {  	v38 =	vsel vm0, $0xBF800000, v6;
	v21 =	vadd.f32 v21, v25;
	v20 =	vmul.f32 v20, v28  }
0x163: {  	v10 =	vmov s5;
	v18 =	vld.idx.msk [tilespmem:v29+s26+$0x0], $0xffff;
	v19 =	vmul.f32 v19, v28;
	v30 =	vmul.f32 v30, v38  }
0x164: {  	v11 =	vmov s18;
	v17 =	vld.idx.msk [tilespmem:v33+s26+$0x0], $0xffff;
	v22 =	vmul.f32 v22, v38;
	v25 =	vmul.f32 v34, v38  }
0x165: {  	v23 =	vadd.f32 v23, v26;
	v24 =	vmul.f32 v24, v38;
	v27 =	vmul.f32 v27, v19  }
0x166: {  	v26 =	vadd.f32 v32, v36;
	v28 =	vmul.f32 v30, v20;
	v22 =	vmul.f32 v22, v20  }
0x167: {  	v39 =	vor.u32 $0x3, v29;
	v30 =	vmul.f32 v25, v20;
	v25 =	vmul.f32 v37, v19  }
0x168: {  	v59 =	vld.idx.msk [tilespmem:v10+s13+$0x0 ss:$0x1], $0xffff;
	v58 =	vmul.f32 v24, v20;
	v21 =	vadd.f32 v28, v21;
	v22 =	vsub.f32 v23, v22  }
0x169: {  	v57 =	vld.idx.msk [tilespmem:v11+s13+$0x0 ss:$0x1], $0xffff;
	v27 =	vsub.f32 v26, v27;
	v19 =	vand.u32 $0x7FFFFFFF, v17;
	v23 =	vand.u32 $0x7FFFFFFF, v18  }
0x16a: {  	s12 =	simm.s32 $0x10;
	vm0 =	vgt.f32 v23, v19;
	v20 =	vmul.f32 v21, v21;
	v21 =	vmul.f32 v22, v22  }
0x16b: {  	v26 =	vld.idx.msk [tilespmem:v12+s12+$0x0 ss:$0x1], $0xffff;
	v22 =	vadd.f32 v25, v31;
	v31 =	vor.u32 $0x2, v29;
	vm0 =	vmneg vm0  }
0x16c: {  	v60 =	vor.u32 $0x4, v29;
	v19 =	vld.idx.msk [tilespmem:v39+s26+$0x0], $0xffff;
	v24 =	vsel vm0, $0x5, v5  }
0x16d: {  	v33 =	vsub.f32 v59, v58;
	v23 =	vadd.f32 v21, v20;
	v21 =	vld.idx.msk [tilespmem:v15+s12+$0x0 ss:$0x1], $0xffff;
	v28 =	vor.u32 v29, v24  }
0x16e: {  	s15 =	sadd.s32 $0x0, s6;
	s10 =	simm.s32 $0x20;
	v30 =	vadd.f32 v30, v57;
	v63 =	vmul.f32 v27, v27;
	v25 =	vsel vm0, $0x3, v4;
	v20 =	vld.idx.msk [tilespmem:v14+s12+$0x0 ss:$0x1], $0xffff  }
0x16f: {  	p1 =	slt.u32 s15, $0x30D40;
	v27 =	vmov s10;
	v33 =	vmul.f32 v33, v33;
	v24 =	vor.u32 v29, v25;
	v25 =	vld.idx.msk [tilespmem:v13+s12+$0x0 ss:$0x1], $0xffff  }
0x170: {  	v61 =	vsel vm0, $0x1, v7;
	v62 =	vmul.f32 v22, v22;
	v23 =	vpsel !p1, $0x0, v23;
	v22 =	vld.idx.msk [tilespmem:v31+s26+$0x0], $0xffff  }
0x171: {  	v16 =	vadd.f32 v23, v16;
	v23 =	vor.u32 v61, v29;
	v31 =	vmul.f32 v30, v30;
	v29 =	vld.idx.msk [tilespmem:v60+s26+$0x0], $0xffff  }
0x172: {  	s15 =	simm.s32 $0xC0;
	s13 =	simm.s32 $0x80;
	v34 =	vshll.u32 v27, $0x3;
	v32 =	vadd.f32 v63, v62;
	v30 =	vmul.f32 v21, v17;
	v27 =	vld.idx.msk [tilespmem:v28+s31+$0x0], $0xffff  }
.LBB2_21:
0x173: {  	p0 =	sne.s32 s15, $0xDC0;
	v34 =	vor.u32 v3, v34;
	v35 =	vmul.f32 v20, v17;
	v28 =	vld.idx.msk [tilespmem:v28+s0+$0x0], $0xffff;
	v31 =	vadd.f32 v33, v31  }
0x174: {  	v37 =	vmul.f32 v25, v18;
	v33 =	vor.u32 $0x1, v34;
	v36 =	vor.u32 $0x3, v34;
	v38 =	vld.idx.msk [tilespmem:v24+s31+$0x0], $0xffff  }
0x175: {  	v39 =	vmul.f32 v26, v18;
	v32 =	vpsel !p1, $0x0, v32;
	v24 =	vld.idx.msk [tilespmem:v24+s0+$0x0], $0xffff;
	v31 =	vpsel !p1, $0x0, v31  }
0x176: {  	v25 =	vsub.f32 $0.0e+00, v25;
	v21 =	vmul.f32 v21, v18;
	v26 =	vsub.f32 $0.0e+00, v26;
	v40 =	vld.idx.msk [tilespmem:v23+s31+$0x0], $0xffff  }
0x177: {  	v20 =	vmul.f32 v20, v18;
	v30 =	vadd.f32 v30, v37;
	v29 =	vmul.f32 v29, v22;
	v23 =	vld.idx.msk [tilespmem:v23+s0+$0x0], $0xffff  }
0x178: {  	v37 =	vsel vm0, $0xBF800000, v6;
	v25 =	vmul.f32 v25, v17;
	v26 =	vmul.f32 v26, v17;
	v18 =	vld.idx.msk [tilespmem:v34+s26+$0x0], $0xffff  }
0x179: {  	v27 =	vmul.f32 v27, v37;
	v28 =	vmul.f32 v28, v37;
	v17 =	vld.idx.msk [tilespmem:v33+s26+$0x0], $0xffff;
	v33 =	vadd.f32 v35, v39  }
0x17a: {  	v22 =	vmul.f32 v19, v22;
	v21 =	vadd.f32 v21, v25;
	v25 =	vmul.f32 v38, v37;
	v19 =	vld.idx.msk [tilespmem:v36+s26+$0x0], $0xffff  }
0x17b: {  	v20 =	vadd.f32 v20, v26;
	v26 =	vmul.f32 v27, v29;
	v27 =	vmul.f32 v28, v29;
	v35 =	vld.idx.msk [tilespmem:v11+s12+$0x0 ss:$0x1], $0xffff  }
0x17c: {  	v9 =	vadd.f32 v31, v9;
	v24 =	vmul.f32 v24, v37;
	v37 =	vmul.f32 v25, v29;
	v36 =	vld.idx.msk [tilespmem:v10+s12+$0x0 ss:$0x1], $0xffff  }
0x17d: {  	v25 =	vmul.f32 v40, v22;
	v21 =	vadd.f32 v26, v21;
	v20 =	vsub.f32 v20, v27  }
0x17e: {  	v22 =	vmul.f32 v23, v22;
	v27 =	vmul.f32 v24, v29;
	v26 =	vand.u32 $0x7FFFFFFF, v18  }
0x17f: {  	v21 =	vmul.f32 v21, v21;
	v23 =	vand.u32 $0x7FFFFFFF, v17;
	v20 =	vmul.f32 v20, v20  }
0x180: {  	v29 =	vadd.f32 v25, v30;
	v30 =	vsub.f32 v33, v22;
	vm0 =	vgt.f32 v26, v23  }
0x181: {  	s12 =	sshra.s32 s13, $0x2;
	s13 =	sadd.s32 s9, s6;
	s9 =	smov.u32 s10;
	v22 =	vor.u32 $0x2, v34;
	vm0 =	vmneg vm0;
	v23 =	vadd.f32 v20, v21  }
0x182: {  	p1 =	slt.u32 s13, $0x30D40;
	s13 =	smov.u32 s15;
	v33 =	vor.u32 $0x4, v34;
	v24 =	vsel vm0, $0x3, v4;
	v25 =	vsel vm0, $0x5, v5;
	v21 =	vld.idx.msk [tilespmem:v15+s12+$0x0 ss:$0x1], $0xffff  }
0x183: {  	v24 =	vor.u32 v34, v24;
	v28 =	vor.u32 v34, v25;
	v23 =	vpsel !p1, $0x0, v23;
	v20 =	vld.idx.msk [tilespmem:v14+s12+$0x0 ss:$0x1], $0xffff  }
.Ltmp9:
0x184: {  	v35 =	vadd.f32 v37, v35;
	v31 =	vsel vm0, $0x1, v7;
	v16 =	vadd.f32 v23, v16;
	v25 =	vld.idx.msk [tilespmem:v13+s12+$0x0 ss:$0x1], $0xffff;
	(pc) =	sbr.rel @p0 .LBB2_21-.Ltmp9, $4  }
0x185: {  	v37 =	vmul.f32 v29, v29;
	v27 =	vsub.f32 v36, v27;
	v23 =	vor.u32 v31, v34;
	v26 =	vld.idx.msk [tilespmem:v12+s12+$0x0 ss:$0x1], $0xffff  }
0x186: {  	v8 =	vadd.f32 v32, v8;
	s10 =	sadd.s32 $0x10, s10;
	v36 =	vmul.f32 v30, v30;
	v31 =	vmul.f32 v35, v35;
	v22 =	vld.idx.msk [tilespmem:v22+s26+$0x0], $0xffff  }
0x187: {  	v30 =	vmov s10;
	v29 =	vld.idx.msk [tilespmem:v33+s26+$0x0], $0xffff;
	v33 =	vmul.f32 v27, v27  }
0x188: {  	s15 =	sadd.s32 $0x40, s15;
	v34 =	vshll.u32 v30, $0x3;
	v32 =	vadd.f32 v36, v37;
	v30 =	vmul.f32 v21, v17;
	v27 =	vld.idx.msk [tilespmem:v28+s31+$0x0], $0xffff  }
0x189: {  	v34 =	vor.u32 v3, v34  }
0x18a: {  	v35 =	vor.u32 $0x1, v34;
	_ =	sdelay $0x2  }
0x18b: {  	v36 =	vmul.f32 v20, v17;
	v28 =	vld.idx.msk [tilespmem:v28+s0+$0x0], $0xffff;
	v37 =	vmul.f32 v25, v18  }
0x18c: {  	v51 =	vsub.f32 $0.0e+00, v25;
	v21 =	vmul.f32 v21, v18;
	v54 =	vsel vm0, $0xBF800000, v6;
	v40 =	vld.idx.msk [tilespmem:v34+s26+$0x0], $0xffff  }
0x18d: {  	v50 =	vor.u32 $0x3, v34;
	v39 =	vmul.f32 v26, v18;
	v52 =	vsub.f32 $0.0e+00, v26;
	v35 =	vld.idx.msk [tilespmem:v35+s26+$0x0], $0xffff  }
0x18e: {  	v38 =	vld.idx.msk [tilespmem:v24+s31+$0x0], $0xffff;
	v18 =	vmul.f32 v20, v18;
	v42 =	vor.u32 $0x2, v34;
	v43 =	vor.u32 $0x4, v34  }
0x18f: {  	v53 =	vld.idx.msk [tilespmem:v24+s0+$0x0], $0xffff;
	v30 =	vadd.f32 v30, v37;
	v25 =	vmul.f32 v51, v17;
	v19 =	vmul.f32 v19, v22  }
0x190: {  	v56 =	vld.idx.msk [tilespmem:v23+s31+$0x0], $0xffff;
	v29 =	vmul.f32 v29, v22;
	v17 =	vmul.f32 v52, v17;
	v55 =	vadd.f32 v36, v39  }
0x191: {  	v57 =	vld.idx.msk [tilespmem:v23+s0+$0x0], $0xffff;
	v27 =	vmul.f32 v27, v54;
	v21 =	vadd.f32 v21, v25;
	v28 =	vmul.f32 v28, v54  }
0x192: {  	v63 =	vld.idx.msk [tilespmem:v11+s12+$0x0 ss:$0x1], $0xffff;
	v17 =	vadd.f32 v18, v17;
	v61 =	vand.u32 $0x7FFFFFFF, v40;
	v62 =	vand.u32 $0x7FFFFFFF, v35  }
0x193: {  	v41 =	vld.idx.msk [tilespmem:v10+s12+$0x0 ss:$0x1], $0xffff;
	s13 =	sshra.s32 s13, $0x2;
	v18 =	vmul.f32 v27, v29;
	v60 =	vmul.f32 v28, v29;
	vm15 =	vgt.f32 v61, v62  }
0x194: {  	v15 =	vld.idx.msk [tilespmem:v15+s13+$0x0 ss:$0x1], $0xffff;
	v58 =	vmul.f32 v38, v54;
	v20 =	vmul.f32 v53, v54;
	vm0 =	vmneg vm15  }
0x195: {  	v14 =	vld.idx.msk [tilespmem:v14+s13+$0x0 ss:$0x1], $0xffff;
	v18 =	vadd.f32 v18, v21;
	v17 =	vsub.f32 v17, v60;
	v44 =	vsel vm0, $0x5, v5  }
0x196: {  	v13 =	vld.idx.msk [tilespmem:v13+s13+$0x0 ss:$0x1], $0xffff;
	v45 =	vmul.f32 v56, v19;
	v19 =	vmul.f32 v57, v19;
	v46 =	vor.u32 v34, v44  }
0x197: {  	v12 =	vld.idx.msk [tilespmem:v12+s13+$0x0 ss:$0x1], $0xffff;
	v18 =	vmul.f32 v18, v18;
	v17 =	vmul.f32 v17, v17;
	v47 =	vsel vm0, $0x3, v4  }
0x198: {  	v59 =	vld.idx.msk [tilespmem:v50+s26+$0x0], $0xffff;
	v23 =	vmul.f32 v58, v29;
	v48 =	vadd.f32 v45, v30;
	v28 =	vor.u32 v34, v47  }
0x199: {  	v49 =	vld.idx.msk [tilespmem:v43+s26+$0x0], $0xffff;
	v19 =	vsub.f32 v55, v19;
	v17 =	vadd.f32 v17, v18;
	v18 =	vsel vm0, $0x1, v7  }
0x19a: {  	v31 =	vadd.f32 v33, v31;
	v20 =	vmul.f32 v20, v29;
	v21 =	vld.idx.msk [tilespmem:v42+s26+$0x0], $0xffff;
	v18 =	vor.u32 v18, v34  }
0x19b: {  	v23 =	vadd.f32 v23, v63;
	v50 =	vmul.f32 v48, v48;
	v19 =	vmul.f32 v19, v19;
	v51 =	vld.idx.msk [tilespmem:v46+s31+$0x0], $0xffff  }
0x19c: {  	v32 =	vpsel !p1, $0x0, v32;
	v54 =	vmul.f32 v13, v40;
	v55 =	vmul.f32 v12, v40;
	v22 =	vld.idx.msk [tilespmem:v46+s0+$0x0], $0xffff  }
0x19d: {  	v13 =	vsub.f32 $0.0e+00, v13;
	v12 =	vsub.f32 $0.0e+00, v12;
	v23 =	vmul.f32 v23, v23;
	v53 =	vld.idx.msk [tilespmem:v28+s31+$0x0], $0xffff  }
0x19e: {  	s9 =	sadd.s32 s9, s6;
	v8 =	vadd.f32 v32, v8;
	v52 =	vmul.f32 v14, v35;
	v14 =	vmul.f32 v14, v40;
	v28 =	vld.idx.msk [tilespmem:v28+s0+$0x0], $0xffff  }
0x19f: {  	p0 =	slt.u32 s9, $0x30D40;
	v20 =	vsub.f32 v41, v20;
	v13 =	vmul.f32 v13, v35;
	v12 =	vmul.f32 v12, v35;
	v34 =	vld.idx.msk [tilespmem:v18+s31+$0x0], $0xffff  }
0x1a0: {  	v24 =	vmul.f32 v49, v21;
	v56 =	vsel vm0, $0xBF800000, v6;
	v17 =	vpsel !p0, $0x0, v17;
	v18 =	vld.idx.msk [tilespmem:v18+s0+$0x0], $0xffff  }
0x1a1: {  	v16 =	vadd.f32 v17, v16;
	v17 =	vmul.f32 v15, v35;
	v15 =	vmul.f32 v15, v40  }
0x1a2: {  	v62 =	vadd.f32 v19, v50;
	v21 =	vmul.f32 v59, v21;
	v27 =	vmul.f32 v51, v56  }
0x1a3: {  	v11 =	vld.idx.msk [tilespmem:v11+s13+$0x0 ss:$0x1], $0xffff;
	v13 =	vadd.f32 v15, v13;
	v22 =	vmul.f32 v22, v56;
	v15 =	vmul.f32 v53, v56  }
0x1a4: {  	v10 =	vld.idx.msk [tilespmem:v10+s13+$0x0 ss:$0x1], $0xffff;
	v29 =	vadd.f32 v52, v55;
	v59 =	vmul.f32 v28, v56;
	v60 =	vmul.f32 v34, v21  }
0x1a5: {  	v17 =	vadd.f32 v17, v54;
	v18 =	vmul.f32 v18, v21;
	v57 =	vmul.f32 v27, v24  }
0x1a6: {  	v12 =	vadd.f32 v14, v12;
	v58 =	vmul.f32 v22, v24;
	v15 =	vmul.f32 v15, v24  }
0x1a7: {  	v61 =	vmul.f32 v59, v24;
	v17 =	vadd.f32 v60, v17;
	v18 =	vsub.f32 v29, v18  }
0x1a8: {  	v20 =	vmul.f32 v20, v20;
	v13 =	vadd.f32 v57, v13;
	v12 =	vsub.f32 v12, v58  }
0x1a9: {  	v31 =	vpsel !p1, $0x0, v31;
	v11 =	vadd.f32 v15, v11;
	v10 =	vsub.f32 v10, v61  }
0x1aa: {  	v15 =	vmul.f32 v17, v17;
	v17 =	vmul.f32 v18, v18;
	v18 =	vadd.f32 v20, v23  }
0x1ab: {  	s8 =	sadd.s32 $0x1, s8;
	v14 =	vpsel !p0, $0x0, v62;
	v13 =	vmul.f32 v13, v13;
	v12 =	vmul.f32 v12, v12  }
0x1ac: {  	v11 =	vmul.f32 v11, v11;
	v10 =	vmul.f32 v10, v10;
	v63 =	vpsel !p0, $0x0, v18;
	p0 =	sne.s32 s8, $0x7  }
.Ltmp10:
0x1ad: {  	s15 =	sadd.s32 s10, s6;
	v9 =	vadd.f32 v31, v9;
	v12 =	vadd.f32 v12, v13;
	(pc) =	sbr.rel @p0 .LBB2_20-.Ltmp10, $4  }
0x1ae: {  	p6 =	slt.u32 s15, $0x30D40;
	v15 =	vadd.f32 v17, v15;
	v10 =	vadd.f32 v10, v11  }
0x1af: {  	s7 =	sadd.s32 $0x380, s7;
	v8 =	vadd.f32 v14, v8;
	v9 =	vadd.f32 v63, v9;
	v11 =	vpsel !p6, $0x0, v12  }
0x1b0: {  	s17 =	sadd.s32 $0x380, s17;
	s18 =	sadd.s32 $0x380, s18;
	s2 =	sadd.s32 $0x380, s2;
	v10 =	vpsel !p6, $0x0, v10;
	v16 =	vadd.f32 v11, v16;
	v11 =	vpsel !p6, $0x0, v15  }
0x1b1: {  	s4 =	sadd.s32 $0x380, s4;
	s5 =	sadd.s32 $0x380, s5;
	s6 =	sadd.s32 $0x380, s6;
	v9 =	vadd.f32 v10, v9;
	v8 =	vadd.f32 v11, v8  }
0x1b2: {  	[tilespmem:$0x19DE8] =	vst v16  }
0x1b3: {  	[tilespmem:$0x19DC8] =	vst v8  }
0x1b4: {  	[tilespmem:$0x19DD8] =	vst v9  }
0x1b5: {  	[bflag:$0x0] =	sbarrier.arrive $0xFFFF  }
0x1b6: {  	s4 =	simm.s32 $0x19DC8;
	s2 =	rddreg [dreg:$0xd]  }
0x1b7: {  	[hbm4b:s2+s1] =	stream.linear.scatter [tilespmem:s4], [sflag:$0x2], $0x30, $0x38;
	[tilespmem:$0x19DF8] =	vst v63  }
0x1b8: {  	_ =	swait.ge [sflag:s19], $0x30  }
0x1b9: {  	s17 =	rddreg [dreg:$0x10]  }
0x1ba: {  	s18 =	rddreg [dreg:$0xe]  }
0x1bb: {  	s8 =	rddreg [dreg:$0x2]  }
0x1bc: {  	s9 =	rddreg [dreg:$0x3];
	s4 =	sadd.s32 $0x1, s17  }
0x1bd: {  	s10 =	rddreg [dreg:$0x4];
	p0 =	sne.s32 s4, s18  }
.Ltmp11:
0x1be: {  	s12 =	rddreg [dreg:$0x5];
	(pc) =	sbr.rel @p0 .LBB2_1-.Ltmp11, $4  }
0x1bf: {  	s13 =	rddreg [dreg:$0x6]  }
0x1c0: {  	s15 =	rddreg [dreg:$0x7]  }
0x1c1: {  	[sflag:s19] =	ssyncset.done $0x0;
	s16 =	rddreg [dreg:$0x8]  }
0x1c2: {  	[sflag:s19] =	ssyncadd.s32 $0xFFFFFFD0;
	s17 =	rddreg [dreg:$0x9]  }
0x1c3: {  	_ =	sfence.sel $0x180000  }
0x1c4: {  	[bflag:$0x0] =	sbarrier.arrive $0xFFFF  }
0x1c5: {  	_ =	strace $0x90000047  }
0x1c6: {  	s0 =	stileid.u32;
	[bflag:$0x2] =	sbarrier.arrive $0xFFFF  }
0x1c7: {  	p0 =	sne.s32 s0, $0x0;
	s0 =	rddreg [dreg:$0x1]  }
0x1c8: {  	s0 =	sadd.s32 @!p0 $0x100000, s0  }
0x1c9: {  	[sflag:s0] =	ssyncadd.tile.s32 @!p0 $0x1;
	_ =	shalt  }
.Lfunc_end2:
_tile_overlayer_lowered:
.L_overlay_start_2:
0x1ca: {  	(tag) =	ssettag $0x2  }
0x1cb: {  	s0 =	rddreg [dreg:$0x0];
	s2 =	stileid.u32  }
0x1cc: {  	s1 =	rddreg [dreg:$0x1];
	p0 =	sne.s32 s2, $0x0  }
0x1cd: {  	s3 =	rddreg [dreg:$0x2];
	[bflag:$0x3] =	sbarrier.arrive $0xFFFF;
	s2 =	simm.s32 @!p0 $0x1C02  }
0x1ce: {  	[timem:s3], [sflag:s2] =	dma.local @!p0 [hbm:s0], s1  }
0x1cf: {  	s0 =	simm.s32 @!p0 $0x2  }
0x1d0: {  	_ =	swait.ge @!p0 [sflag:s0], s1  }
0x1d1: {  	s1 =	ssub.s32 @!p0 $0x0, s1;
	[sflag:s0] =	ssyncset.done @!p0 $0x0  }
0x1d2: {  	[sflag:s0] =	ssyncadd.s32 @!p0 s1  }
0x1d3: {  	[bflag:$0x3] =	sbarrier.arrive $0xFFFF  }
0x1d4: {  	_ =	shalt  }

</sc_bundles>
